<compile_context>
chip_gen: v7x
topology: tpu7x:2x2x1
jax: 0.10.2.dev20260603
libtpu: 0.0.44.dev20260713+nightly
codegen_flags: <defaults>
</compile_context>

<pallas_src>
import functools

import jax
import jax.numpy as jnp
from jax import lax
from jax.experimental import pallas as pl
from jax.experimental.pallas import tpu as pltpu
from jax.experimental.pallas import tpu_sc as plsc

B, N, C_IN, FH, FW = 1, 6, 256, 20, 36
D_BINS, C_CTX = 64, 128
IH, IW = 320, 576
TH, TW = 20, 36
HW = FH * FW
Q = N * HW
P = TH * TW
SCALE_W = TW / IW
SCALE_H = TH / IH


def _frustum_parts():
    ds = jnp.arange(1.0, 60.0, 0.921875, dtype=jnp.float32)
    us = jnp.linspace(0.0, IW - 1.0, FW, dtype=jnp.float32)
    vs = jnp.linspace(0.0, IH - 1.0, FH, dtype=jnp.float32)
    u_hw = jnp.tile(us, (FH,))
    v_hw = jnp.repeat(vs, FW)
    return u_hw, v_hw, ds


def _precise_div(a, b):
    r = 1.0 / b
    r = r * (2.0 - b * r)
    q = a * r
    return q + r * (a - b * q)


def _lift_geom_body(geom_ref, x_ref, w_ref, b_ref, uv_ref, ds_ref,
                    idx_ref, dpm_ref, ctx_ref):
    n = pl.program_id(0)
    x = x_ref[0]
    w = w_ref[...]
    y = lax.dot_general(x, w, (((1,), (1,)), ((), ())),
                        preferred_element_type=jnp.float32,
                        precision=lax.Precision.HIGHEST)
    y = y + b_ref[...]
    logits = y[:, :D_BINS]
    m = jnp.max(logits, axis=1, keepdims=True)
    e = jnp.exp(logits - m)
    dp = _precise_div(e, jnp.sum(e, axis=1, keepdims=True))
    ctx = y[:, D_BINS:]

    u = uv_ref[:, 0:1]
    v = uv_ref[:, 1:2]
    d = ds_ref[...]
    bf = lambda a: a.astype(jnp.bfloat16).astype(jnp.float32)
    ph0 = bf(u * d)
    ph1 = bf(v * d)
    ph2 = bf(jnp.broadcast_to(d, ph0.shape))

    g = lambda k: geom_ref[n, k]
    c0 = g(0) * ph0 + g(1) * ph1 + g(2) * ph2
    c1 = g(3) * ph0 + g(4) * ph1 + g(5) * ph2
    c2 = g(6) * ph0 + g(7) * ph1 + g(8) * ph2
    b0, b1, b2 = bf(c0), bf(c1), bf(c2)
    e0 = g(9) * b0 + g(10) * b1 + g(11) * b2 + g(18)
    e1 = g(12) * b0 + g(13) * b1 + g(14) * b2 + g(19)
    e2 = g(15) * b0 + g(16) * b1 + g(17) * b2 + g(20)
    b0, b1, b2 = bf(e0), bf(e1), bf(e2)
    t0 = g(21) * b0 + g(22) * b1 + g(23) * b2 + g(30)
    t1 = g(24) * b0 + g(25) * b1 + g(26) * b2 + g(31)
    t2 = g(27) * b0 + g(28) * b1 + g(29) * b2 + g(32)
    z = jnp.maximum(t2, 0.1)
    uu = _precise_div(g(33) * t0, z) + g(35)
    vv = _precise_div(g(34) * t1, z) + g(36)
    uf = (uu * SCALE_W).astype(jnp.int32)
    vf = (vv * SCALE_H).astype(jnp.int32)
    valid = (t2 > 0.1) & (uf >= 0) & (uf < TW) & (vf >= 0) & (vf < TH)
    idx = jnp.where(valid, vf * TW + uf, 0)
    dpm = jnp.where(valid, dp, 0.0)

    idx_ref[...] = idx
    dpm_ref[...] = dpm
    ctx_ref[0] = ctx


def _lift_geom(geom, x, w, b2, uv, ds2):
    return pl.pallas_call(
        _lift_geom_body,
        grid=(N,),
        in_specs=[
            pl.BlockSpec(memory_space=pltpu.SMEM),
            pl.BlockSpec((1, HW, C_IN), lambda n: (n, 0, 0)),
            pl.BlockSpec((D_BINS + C_CTX, C_IN), lambda n: (0, 0)),
            pl.BlockSpec((1, D_BINS + C_CTX), lambda n: (0, 0)),
            pl.BlockSpec((HW, 2), lambda n: (0, 0)),
            pl.BlockSpec((1, D_BINS), lambda n: (0, 0)),
        ],
        out_specs=[
            pl.BlockSpec((HW, D_BINS), lambda n: (n, 0)),
            pl.BlockSpec((HW, D_BINS), lambda n: (n, 0)),
            pl.BlockSpec((1, HW, C_CTX), lambda n: (n, 0, 0)),
        ],
        out_shape=[
            jax.ShapeDtypeStruct((Q_PAD, D_BINS), jnp.int32),
            jax.ShapeDtypeStruct((Q_PAD, D_BINS), jnp.float32),
            jax.ShapeDtypeStruct((N, HW, C_CTX), jnp.float32),
        ],
    )(geom, x, w, b2, uv, ds2)


def _onehot_a_body(idx_ref, dpm_ref, a_ref):
    p_row = lax.broadcasted_iota(jnp.int32, (1, P), 1)
    acc = jnp.zeros((HW, P), jnp.float32)
    for d in range(D_BINS):
        hit = (idx_ref[:, d:d + 1] == p_row)
        acc = acc + jnp.where(hit, dpm_ref[:, d:d + 1], 0.0)
    a_ref[...] = acc


def _onehot_a(idx, dpm):
    return pl.pallas_call(
        _onehot_a_body,
        grid=(N,),
        in_specs=[
            pl.BlockSpec((HW, D_BINS), lambda n: (n, 0)),
            pl.BlockSpec((HW, D_BINS), lambda n: (n, 0)),
        ],
        out_specs=pl.BlockSpec((HW, P), lambda n: (n, 0)),
        out_shape=jax.ShapeDtypeStruct((Q, P), jnp.float32),
    )(idx, dpm)


NW = 32
QW = 136
Q_PAD = NW * QW


CHUNKS = (72, 64)
CHUNK_MAX = 72


def _sc_scatter_body(idx_hbm, dpm_hbm, a_hbm, idx_v, dpm_v, a_v):
    c = lax.axis_index("c")
    s = lax.axis_index("s")
    wid = s * 2 + c
    row0 = wid * QW

    zeros16 = jnp.zeros((16,), jnp.float32)

    def zero_row(r, carry):
        for k in range(P // 16):
            a_v[r, pl.ds(k * 16, 16)] = zeros16
        return carry

    lax.fori_loop(0, QW, zero_row, 0)

    lane = lax.iota(jnp.int32, 16)

    r0 = 0
    for nrows in CHUNKS:
        pltpu.sync_copy(idx_hbm.at[pl.ds(row0 + r0, nrows), :],
                        idx_v.at[pl.ds(0, nrows), :])
        pltpu.sync_copy(dpm_hbm.at[pl.ds(row0 + r0, nrows), :],
                        dpm_v.at[pl.ds(0, nrows), :])

        def scat_d(d, carry, r0=r0, nrows=nrows):
            dv = jnp.broadcast_to(d, (16,))
            for qg in range((nrows + 15) // 16):
                qloc = qg * 16 + lane
                qloc = jnp.minimum(qloc, nrows - 1)
                msk = ((qg * 16 + lane) < nrows) & \
                      ((row0 + r0 + qg * 16 + lane) < Q)
                rows = plsc.load_gather(idx_v, [qloc, dv])
                vals = plsc.load_gather(dpm_v, [qloc, dv])
                plsc.addupdate_scatter(a_v, [r0 + qloc, rows], vals, mask=msk)
            return carry

        lax.fori_loop(0, D_BINS, scat_d, 0)
        r0 += nrows

    pltpu.sync_copy(a_v, a_hbm.at[pl.ds(row0, QW), :])


def _sc_scatter(idx, dpm):
    mesh = plsc.VectorSubcoreMesh(core_axis_name="c", subcore_axis_name="s")
    f = pl.kernel(
        _sc_scatter_body,
        out_type=jax.ShapeDtypeStruct((Q_PAD, P), jnp.float32),
        mesh=mesh,
        compiler_params=pltpu.CompilerParams(needs_layout_passes=False),
        scratch_types=[
            pltpu.VMEM((CHUNK_MAX, D_BINS), jnp.int32),
            pltpu.VMEM((CHUNK_MAX, D_BINS), jnp.float32),
            pltpu.VMEM((QW, P), jnp.float32),
        ],
    )
    return f(idx, dpm)


def _contract_body(ctx_ref, a_ref, out_ref):
    n = pl.program_id(0)
    part = lax.dot_general(ctx_ref[0], a_ref[...], (((0,), (0,)), ((), ())),
                           preferred_element_type=jnp.float32,
                           precision=lax.Precision.HIGHEST)
    @pl.when(n == 0)
    def _():
        out_ref[...] = part

    @pl.when(n > 0)
    def _():
        out_ref[...] += part


def _contract(ctx, a):
    return pl.pallas_call(
        _contract_body,
        grid=(N,),
        in_specs=[
            pl.BlockSpec((1, HW, C_CTX), lambda n: (n, 0, 0)),
            pl.BlockSpec((HW, P), lambda n: (n, 0)),
        ],
        out_specs=pl.BlockSpec((C_CTX, P), lambda n: (0, 0)),
        out_shape=jax.ShapeDtypeStruct((C_CTX, P), jnp.float32),
    )(ctx, a)


def kernel(features, source_intrinsics, source_extrinsics, target_K, target_E,
           W_depth, b_depth):
    x = features[0].transpose(0, 2, 3, 1).reshape(N, HW, C_IN)
    sfx = source_intrinsics[:, :, 0, 0]
    sfy = source_intrinsics[:, :, 1, 1]
    scx = source_intrinsics[:, :, 0, 2]
    scy = source_intrinsics[:, :, 1, 2]
    zz = jnp.zeros_like(sfx)
    oo = jnp.ones_like(sfx)
    K_inv = jnp.stack([
        1.0 / sfx, zz, -scx / sfx,
        zz, 1.0 / sfy, -scy / sfy,
        zz, zz, oo,
    ], axis=-1).reshape(*sfx.shape, 3, 3)
    R = source_extrinsics[:, :, :3, :3]
    t = source_extrinsics[:, :, :3, 3]
    R_tgt = target_E[:, :3, :3]
    t_tgt = target_E[:, :3, 3]
    fx = target_K[:, 0, 0]
    fy = target_K[:, 1, 1]
    cx = target_K[:, 0, 2]
    cy = target_K[:, 1, 2]

    def bfr(a):
        u = lax.bitcast_convert_type(a, jnp.uint32)
        u = u + jnp.uint32(0x7FFF) + ((u >> 16) & jnp.uint32(1))
        u = u & jnp.uint32(0xFFFF0000)
        return lax.bitcast_convert_type(u, jnp.float32)

    geom = jnp.concatenate([
        bfr(K_inv[0]).reshape(N, 9),
        bfr(R[0]).reshape(N, 9),
        t[0].reshape(N, 3),
        jnp.broadcast_to(bfr(R_tgt[0]).reshape(1, 9), (N, 9)),
        jnp.broadcast_to(t_tgt[0].reshape(1, 3), (N, 3)),
        jnp.broadcast_to(jnp.stack([fx[0], fy[0], cx[0], cy[0]]).reshape(1, 4),
                         (N, 4)),
    ], axis=1)

    u_hw, v_hw, ds = _frustum_parts()
    uv = jnp.stack([u_hw, v_hw], axis=1)
    ds2 = ds.reshape(1, D_BINS)
    b2 = b_depth.reshape(1, D_BINS + C_CTX)

    idx, dpm, ctx = _lift_geom(geom, x, W_depth, b2, uv, ds2)
    a = _sc_scatter(idx, dpm)
    out = _contract(ctx, a)
    return out.reshape(1, C_CTX, TH, TW)

# --- scband reference (transcript-rebuilt; emitter-appended) ---
"""Pipeline reference for scband-inverse-splat-87943750353186 (READ-ONLY COPY).

The authoritative reference and input builder live on the scoring server;
editing this copy changes nothing except your own understanding.
"""

import jax, jax.numpy as jnp
import numpy as np

B, N, C_IN, FH, FW = 1, 6, 256, 20, 36
D_BINS, C_CTX = 64, 128
IH, IW = 320, 576
TH, TW = 20, 36


def _frustum():
    ds = jnp.arange(1.0, 60.0, 0.921875, dtype=jnp.float32)
    D = ds.shape[0]
    ds = jnp.broadcast_to(ds[:, None, None], (D, FH, FW))
    xs = jnp.broadcast_to(jnp.linspace(0.0, IW - 1.0, FW, dtype=jnp.float32)[None, None, :], (D, FH, FW))
    ys = jnp.broadcast_to(jnp.linspace(0.0, IH - 1.0, FH, dtype=jnp.float32)[None, :, None], (D, FH, FW))
    return jnp.stack([xs, ys, ds], axis=-1)


def setup_inputs(seed: int = 0):
    key = jax.random.key(seed)
    k1, k2 = jax.random.split(key)
    features = jax.random.normal(k1, (B, N, C_IN, FH, FW), dtype=jnp.float32)
    K = np.array([[500.0, 0.0, 288.0], [0.0, 500.0, 160.0], [0.0, 0.0, 1.0]], dtype=np.float32)
    source_intrinsics = jnp.asarray(np.tile(K, (B, N, 1, 1)))
    Es = np.tile(np.eye(4, dtype=np.float32), (B, N, 1, 1))
    Es[:, :, 0, 3] = np.linspace(-0.5, 0.5, N, dtype=np.float32)
    source_extrinsics = jnp.asarray(Es)
    target_K = jnp.asarray(np.tile(K, (B, 1, 1)))
    target_E = jnp.asarray(np.tile(np.eye(4, dtype=np.float32), (B, 1, 1)))
    W_depth = jax.random.normal(k2, (D_BINS + C_CTX, C_IN), dtype=jnp.float32) * 0.02
    b_depth = jnp.zeros((D_BINS + C_CTX,), dtype=jnp.float32)
    return {"features": features, "source_intrinsics": source_intrinsics, "source_extrinsics": source_extrinsics, "target_K": target_K, "target_E": target_E, "W_depth": W_depth, "b_depth": b_depth}


def reference(features, source_intrinsics, source_extrinsics, target_K, target_E, W_depth, b_depth):
    frustum = _frustum()
    D = frustum.shape[0]
    # --- lift: 1x1 conv (depthnet), depth softmax, outer product ---
    x = features.reshape(B * N, C_IN, FH, FW)
    x = jnp.einsum('oi,bihw->bohw', W_depth, x) + b_depth[None, :, None, None]
    depth_logits = x[:, :D_BINS]
    depth_probs = jax.nn.softmax(depth_logits, axis=1)
    context = x[:, D_BINS:]
    f3d = depth_probs[:, :, None, :, :] * context[:, None, :, :, :]
    f3d = f3d.reshape(B, N, D, C_CTX, FH, FW).transpose(0, 1, 2, 4, 5, 3)
    u = frustum[..., 0:1]
    v = frustum[..., 1:2]
    d = frustum[..., 2:3]
    pixel_homo = jnp.concatenate([u * d, v * d, d], axis=-1)
    K_inv = jnp.linalg.inv(source_intrinsics)
    R = source_extrinsics[:, :, :3, :3]
    t = source_extrinsics[:, :, :3, 3]
    cam_pts = jnp.einsum('bnij,dhwj->bndhwi', K_inv, pixel_homo)
    ego_points = jnp.einsum('bnij,bndhwj->bndhwi', R, cam_pts) + t[:, :, None, None, None, :]
    # --- splat to the (single) target camera plane via scatter-add ---
    scale_w = TW / IW
    scale_h = TH / IH
    R_tgt = target_E[:, :3, :3]
    t_tgt = target_E[:, :3, 3]
    fx = target_K[:, 0, 0][:, None]
    fy = target_K[:, 1, 1][:, None]
    cx = target_K[:, 0, 2][:, None]
    cy = target_K[:, 1, 2][:, None]
    M = N * D * FH * FW
    pts = ego_points.reshape(B, M, 3)
    feats = f3d.reshape(B, M, C_CTX)
    cam = jnp.einsum('bij,bmj->bmi', R_tgt, pts) + t_tgt[:, None, :]
    z = jnp.maximum(cam[:, :, 2], 0.1)
    uu = fx * cam[:, :, 0] / z + cx
    vv = fy * cam[:, :, 1] / z + cy
    u_feat = (uu * scale_w).astype(jnp.int32)
    v_feat = (vv * scale_h).astype(jnp.int32)
    valid = (cam[:, :, 2] > 0.1) & (u_feat >= 0) & (u_feat < TW) & (v_feat >= 0) & (v_feat < TH)
    flat_idx = jnp.where(valid, v_feat * TW + u_feat, 0)
    feats_m = jnp.where(valid[:, :, None], feats, 0.0)
    idx_full = (flat_idx + jnp.arange(B, dtype=jnp.int32)[:, None] * (TH * TW)).reshape(-1)
    out = jnp.zeros((B * TH * TW, C_CTX), dtype=feats.dtype).at[idx_full].add(feats_m.reshape(-1, C_CTX))
    return out.reshape(B, TH, TW, C_CTX).transpose(0, 3, 1, 2)

if __name__ == "__main__":
    import jax
    _d = setup_inputs()
    print(jax.jit(kernel)(*tuple(_d.values())))

</pallas_src>

<mosaic_0001>
#map = affine_map<(d0, d1) -> (0, 0)>
module attributes {stable_mosaic.version = 14 : i64} {
  func.func @_sc_scatter_body(%arg0: i32, %arg1: i32, %arg2: memref<4352x64xi32, #tpu.memory_space<hbm>>, %arg3: memref<4352x64xf32, #tpu.memory_space<hbm>>, %arg4: memref<4352x720xf32, #tpu.memory_space<hbm>>, %arg5: memref<72x64xi32, #tpu.memory_space<vmem>>, %arg6: memref<72x64xf32, #tpu.memory_space<vmem>>, %arg7: memref<136x720xf32, #tpu.memory_space<vmem>>) attributes {dimension_semantics = [#tpu.dimension_semantics<core_parallel>, #tpu.dimension_semantics<subcore_parallel>], iteration_bounds = array<i64: 2, 16>, scalar_prefetch = 0 : i64, scratch_operands = 3 : i64, tpu.core_type = #tpu.core_type<sc_vector_subcore>, window_params = [{transform_indices = #map}, {transform_indices = #map}, {transform_indices = #map}]} {
    %mul3A = arith.constant 2 : i32
    %mul3A_0 = arith.muli %arg1, %mul3A : i32
    %add3A = arith.addi %mul3A_0, %arg0 : i32
    %mul3A_1 = arith.constant 136 : i32
    %mul3A_2 = arith.muli %add3A, %mul3A_1 : i32
    %broadcast_in_dim3A = arith.constant 0.000000e+00 : f32
    %broadcast_in_dim3A_3 = vector.broadcast %broadcast_in_dim3A : f32 to vector<16xf32>
    %scan3A = arith.constant 0 : i32
    %scan3A_4 = arith.constant 0 : i32
    %scan3A_5 = arith.constant 136 : i32
    %scan3A_6 = arith.addi %scan3A_4, %scan3A_5 : i32
    %scan3A_7 = arith.constant 1 : i32
    scf.for %scan3A_29 = %scan3A_4 to %scan3A_6 step %scan3A_7  : i32 {
      %swap3A = arith.index_cast %scan3A_29 : i32 to index
      %swap3A_30 = arith.constant 0 : index
      %swap3A_31 = tpu.vector_load %arg7[%swap3A, %swap3A_30] {strides = array<i32>} : memref<136x720xf32, #tpu.memory_space<vmem>>, vector<16xf32>,
      tpu.vector_store %arg7[%swap3A, %swap3A_30], %broadcast_in_dim3A_3 {strides = array<i32>} : memref<136x720xf32, #tpu.memory_space<vmem>>, vector<16xf32>,
      %swap3A_32 = arith.index_cast %scan3A_29 : i32 to index
      %swap3A_33 = arith.constant 16 : index
      %swap3A_34 = tpu.vector_load %arg7[%swap3A_32, %swap3A_33] {strides = array<i32>} : memref<136x720xf32, #tpu.memory_space<vmem>>, vector<16xf32>,
      tpu.vector_store %arg7[%swap3A_32, %swap3A_33], %broadcast_in_dim3A_3 {strides = array<i32>} : memref<136x720xf32, #tpu.memory_space<vmem>>, vector<16xf32>,
      %swap3A_35 = arith.index_cast %scan3A_29 : i32 to index
      %swap3A_36 = arith.constant 32 : index
      %swap3A_37 = tpu.vector_load %arg7[%swap3A_35, %swap3A_36] {strides = array<i32>} : memref<136x720xf32, #tpu.memory_space<vmem>>, vector<16xf32>,
      tpu.vector_store %arg7[%swap3A_35, %swap3A_36], %broadcast_in_dim3A_3 {strides = array<i32>} : memref<136x720xf32, #tpu.memory_space<vmem>>, vector<16xf32>,
      %swap3A_38 = arith.index_cast %scan3A_29 : i32 to index
      %swap3A_39 = arith.constant 48 : index
      %swap3A_40 = tpu.vector_load %arg7[%swap3A_38, %swap3A_39] {strides = array<i32>} : memref<136x720xf32, #tpu.memory_space<vmem>>, vector<16xf32>,
      tpu.vector_store %arg7[%swap3A_38, %swap3A_39], %broadcast_in_dim3A_3 {strides = array<i32>} : memref<136x720xf32, #tpu.memory_space<vmem>>, vector<16xf32>,
      %swap3A_41 = arith.index_cast %scan3A_29 : i32 to index
      %swap3A_42 = arith.constant 64 : index
      %swap3A_43 = tpu.vector_load %arg7[%swap3A_41, %swap3A_42] {strides = array<i32>} : memref<136x720xf32, #tpu.memory_space<vmem>>, vector<16xf32>,
      tpu.vector_store %arg7[%swap3A_41, %swap3A_42], %broadcast_in_dim3A_3 {strides = array<i32>} : memref<136x720xf32, #tpu.memory_space<vmem>>, vector<16xf32>,
      %swap3A_44 = arith.index_cast %scan3A_29 : i32 to index
      %swap3A_45 = arith.constant 80 : index
      %swap3A_46 = tpu.vector_load %arg7[%swap3A_44, %swap3A_45] {strides = array<i32>} : memref<136x720xf32, #tpu.memory_space<vmem>>, vector<16xf32>,
      tpu.vector_store %arg7[%swap3A_44, %swap3A_45], %broadcast_in_dim3A_3 {strides = array<i32>} : memref<136x720xf32, #tpu.memory_space<vmem>>, vector<16xf32>,
      %swap3A_47 = arith.index_cast %scan3A_29 : i32 to index
      %swap3A_48 = arith.constant 96 : index
      %swap3A_49 = tpu.vector_load %arg7[%swap3A_47, %swap3A_48] {strides = array<i32>} : memref<136x720xf32, #tpu.memory_space<vmem>>, vector<16xf32>,
      tpu.vector_store %arg7[%swap3A_47, %swap3A_48], %broadcast_in_dim3A_3 {strides = array<i32>} : memref<136x720xf32, #tpu.memory_space<vmem>>, vector<16xf32>,
      %swap3A_50 = arith.index_cast %scan3A_29 : i32 to index
      %swap3A_51 = arith.constant 112 : index
      %swap3A_52 = tpu.vector_load %arg7[%swap3A_50, %swap3A_51] {strides = array<i32>} : memref<136x720xf32, #tpu.memory_space<vmem>>, vector<16xf32>,
      tpu.vector_store %arg7[%swap3A_50, %swap3A_51], %broadcast_in_dim3A_3 {strides = array<i32>} : memref<136x720xf32, #tpu.memory_space<vmem>>, vector<16xf32>,
      %swap3A_53 = arith.index_cast %scan3A_29 : i32 to index
      %swap3A_54 = arith.constant 128 : index
      %swap3A_55 = tpu.vector_load %arg7[%swap3A_53, %swap3A_54] {strides = array<i32>} : memref<136x720xf32, #tpu.memory_space<vmem>>, vector<16xf32>,
      tpu.vector_store %arg7[%swap3A_53, %swap3A_54], %broadcast_in_dim3A_3 {strides = array<i32>} : memref<136x720xf32, #tpu.memory_space<vmem>>, vector<16xf32>,
      %swap3A_56 = arith.index_cast %scan3A_29 : i32 to index
      %swap3A_57 = arith.constant 144 : index
      %swap3A_58 = tpu.vector_load %arg7[%swap3A_56, %swap3A_57] {strides = array<i32>} : memref<136x720xf32, #tpu.memory_space<vmem>>, vector<16xf32>,
      tpu.vector_store %arg7[%swap3A_56, %swap3A_57], %broadcast_in_dim3A_3 {strides = array<i32>} : memref<136x720xf32, #tpu.memory_space<vmem>>, vector<16xf32>,
      %swap3A_59 = arith.index_cast %scan3A_29 : i32 to index
      %swap3A_60 = arith.constant 160 : index
      %swap3A_61 = tpu.vector_load %arg7[%swap3A_59, %swap3A_60] {strides = array<i32>} : memref<136x720xf32, #tpu.memory_space<vmem>>, vector<16xf32>,
      tpu.vector_store %arg7[%swap3A_59, %swap3A_60], %broadcast_in_dim3A_3 {strides = array<i32>} : memref<136x720xf32, #tpu.memory_space<vmem>>, vector<16xf32>,
      %swap3A_62 = arith.index_cast %scan3A_29 : i32 to index
      %swap3A_63 = arith.constant 176 : index
      %swap3A_64 = tpu.vector_load %arg7[%swap3A_62, %swap3A_63] {strides = array<i32>} : memref<136x720xf32, #tpu.memory_space<vmem>>, vector<16xf32>,
      tpu.vector_store %arg7[%swap3A_62, %swap3A_63], %broadcast_in_dim3A_3 {strides = array<i32>} : memref<136x720xf32, #tpu.memory_space<vmem>>, vector<16xf32>,
      %swap3A_65 = arith.index_cast %scan3A_29 : i32 to index
      %swap3A_66 = arith.constant 192 : index
      %swap3A_67 = tpu.vector_load %arg7[%swap3A_65, %swap3A_66] {strides = array<i32>} : memref<136x720xf32, #tpu.memory_space<vmem>>, vector<16xf32>,
      tpu.vector_store %arg7[%swap3A_65, %swap3A_66], %broadcast_in_dim3A_3 {strides = array<i32>} : memref<136x720xf32, #tpu.memory_space<vmem>>, vector<16xf32>,
      %swap3A_68 = arith.index_cast %scan3A_29 : i32 to index
      %swap3A_69 = arith.constant 208 : index
      %swap3A_70 = tpu.vector_load %arg7[%swap3A_68, %swap3A_69] {strides = array<i32>} : memref<136x720xf32, #tpu.memory_space<vmem>>, vector<16xf32>,
      tpu.vector_store %arg7[%swap3A_68, %swap3A_69], %broadcast_in_dim3A_3 {strides = array<i32>} : memref<136x720xf32, #tpu.memory_space<vmem>>, vector<16xf32>,
      %swap3A_71 = arith.index_cast %scan3A_29 : i32 to index
      %swap3A_72 = arith.constant 224 : index
      %swap3A_73 = tpu.vector_load %arg7[%swap3A_71, %swap3A_72] {strides = array<i32>} : memref<136x720xf32, #tpu.memory_space<vmem>>, vector<16xf32>,
      tpu.vector_store %arg7[%swap3A_71, %swap3A_72], %broadcast_in_dim3A_3 {strides = array<i32>} : memref<136x720xf32, #tpu.memory_space<vmem>>, vector<16xf32>,
      %swap3A_74 = arith.index_cast %scan3A_29 : i32 to index
      %swap3A_75 = arith.constant 240 : index
      %swap3A_76 = tpu.vector_load %arg7[%swap3A_74, %swap3A_75] {strides = array<i32>} : memref<136x720xf32, #tpu.memory_space<vmem>>, vector<16xf32>,
      tpu.vector_store %arg7[%swap3A_74, %swap3A_75], %broadcast_in_dim3A_3 {strides = array<i32>} : memref<136x720xf32, #tpu.memory_space<vmem>>, vector<16xf32>,
      %swap3A_77 = arith.index_cast %scan3A_29 : i32 to index
      %swap3A_78 = arith.constant 256 : index
      %swap3A_79 = tpu.vector_load %arg7[%swap3A_77, %swap3A_78] {strides = array<i32>} : memref<136x720xf32, #tpu.memory_space<vmem>>, vector<16xf32>,
      tpu.vector_store %arg7[%swap3A_77, %swap3A_78], %broadcast_in_dim3A_3 {strides = array<i32>} : memref<136x720xf32, #tpu.memory_space<vmem>>, vector<16xf32>,
      %swap3A_80 = arith.index_cast %scan3A_29 : i32 to index
      %swap3A_81 = arith.constant 272 : index
      %swap3A_82 = tpu.vector_load %arg7[%swap3A_80, %swap3A_81] {strides = array<i32>} : memref<136x720xf32, #tpu.memory_space<vmem>>, vector<16xf32>,
      tpu.vector_store %arg7[%swap3A_80, %swap3A_81], %broadcast_in_dim3A_3 {strides = array<i32>} : memref<136x720xf32, #tpu.memory_space<vmem>>, vector<16xf32>,
      %swap3A_83 = arith.index_cast %scan3A_29 : i32 to index
      %swap3A_84 = arith.constant 288 : index
      %swap3A_85 = tpu.vector_load %arg7[%swap3A_83, %swap3A_84] {strides = array<i32>} : memref<136x720xf32, #tpu.memory_space<vmem>>, vector<16xf32>,
      tpu.vector_store %arg7[%swap3A_83, %swap3A_84], %broadcast_in_dim3A_3 {strides = array<i32>} : memref<136x720xf32, #tpu.memory_space<vmem>>, vector<16xf32>,
      %swap3A_86 = arith.index_cast %scan3A_29 : i32 to index
      %swap3A_87 = arith.constant 304 : index
      %swap3A_88 = tpu.vector_load %arg7[%swap3A_86, %swap3A_87] {strides = array<i32>} : memref<136x720xf32, #tpu.memory_space<vmem>>, vector<16xf32>,
      tpu.vector_store %arg7[%swap3A_86, %swap3A_87], %broadcast_in_dim3A_3 {strides = array<i32>} : memref<136x720xf32, #tpu.memory_space<vmem>>, vector<16xf32>,
      %swap3A_89 = arith.index_cast %scan3A_29 : i32 to index
      %swap3A_90 = arith.constant 320 : index
      %swap3A_91 = tpu.vector_load %arg7[%swap3A_89, %swap3A_90] {strides = array<i32>} : memref<136x720xf32, #tpu.memory_space<vmem>>, vector<16xf32>,
      tpu.vector_store %arg7[%swap3A_89, %swap3A_90], %broadcast_in_dim3A_3 {strides = array<i32>} : memref<136x720xf32, #tpu.memory_space<vmem>>, vector<16xf32>,
      %swap3A_92 = arith.index_cast %scan3A_29 : i32 to index
      %swap3A_93 = arith.constant 336 : index
      %swap3A_94 = tpu.vector_load %arg7[%swap3A_92, %swap3A_93] {strides = array<i32>} : memref<136x720xf32, #tpu.memory_space<vmem>>, vector<16xf32>,
      tpu.vector_store %arg7[%swap3A_92, %swap3A_93], %broadcast_in_dim3A_3 {strides = array<i32>} : memref<136x720xf32, #tpu.memory_space<vmem>>, vector<16xf32>,
      %swap3A_95 = arith.index_cast %scan3A_29 : i32 to index
      %swap3A_96 = arith.constant 352 : index
      %swap3A_97 = tpu.vector_load %arg7[%swap3A_95, %swap3A_96] {strides = array<i32>} : memref<136x720xf32, #tpu.memory_space<vmem>>, vector<16xf32>,
      tpu.vector_store %arg7[%swap3A_95, %swap3A_96], %broadcast_in_dim3A_3 {strides = array<i32>} : memref<136x720xf32, #tpu.memory_space<vmem>>, vector<16xf32>,
      %swap3A_98 = arith.index_cast %scan3A_29 : i32 to index
      %swap3A_99 = arith.constant 368 : index
      %swap3A_100 = tpu.vector_load %arg7[%swap3A_98, %swap3A_99] {strides = array<i32>} : memref<136x720xf32, #tpu.memory_space<vmem>>, vector<16xf32>,
      tpu.vector_store %arg7[%swap3A_98, %swap3A_99], %broadcast_in_dim3A_3 {strides = array<i32>} : memref<136x720xf32, #tpu.memory_space<vmem>>, vector<16xf32>,
      %swap3A_101 = arith.index_cast %scan3A_29 : i32 to index
      %swap3A_102 = arith.constant 384 : index
      %swap3A_103 = tpu.vector_load %arg7[%swap3A_101, %swap3A_102] {strides = array<i32>} : memref<136x720xf32, #tpu.memory_space<vmem>>, vector<16xf32>,
      tpu.vector_store %arg7[%swap3A_101, %swap3A_102], %broadcast_in_dim3A_3 {strides = array<i32>} : memref<136x720xf32, #tpu.memory_space<vmem>>, vector<16xf32>,
      %swap3A_104 = arith.index_cast %scan3A_29 : i32 to index
      %swap3A_105 = arith.constant 400 : index
      %swap3A_106 = tpu.vector_load %arg7[%swap3A_104, %swap3A_105] {strides = array<i32>} : memref<136x720xf32, #tpu.memory_space<vmem>>, vector<16xf32>,
      tpu.vector_store %arg7[%swap3A_104, %swap3A_105], %broadcast_in_dim3A_3 {strides = array<i32>} : memref<136x720xf32, #tpu.memory_space<vmem>>, vector<16xf32>,
      %swap3A_107 = arith.index_cast %scan3A_29 : i32 to index
      %swap3A_108 = arith.constant 416 : index
      %swap3A_109 = tpu.vector_load %arg7[%swap3A_107, %swap3A_108] {strides = array<i32>} : memref<136x720xf32, #tpu.memory_space<vmem>>, vector<16xf32>,
      tpu.vector_store %arg7[%swap3A_107, %swap3A_108], %broadcast_in_dim3A_3 {strides = array<i32>} : memref<136x720xf32, #tpu.memory_space<vmem>>, vector<16xf32>,
      %swap3A_110 = arith.index_cast %scan3A_29 : i32 to index
      %swap3A_111 = arith.constant 432 : index
      %swap3A_112 = tpu.vector_load %arg7[%swap3A_110, %swap3A_111] {strides = array<i32>} : memref<136x720xf32, #tpu.memory_space<vmem>>, vector<16xf32>,
      tpu.vector_store %arg7[%swap3A_110, %swap3A_111], %broadcast_in_dim3A_3 {strides = array<i32>} : memref<136x720xf32, #tpu.memory_space<vmem>>, vector<16xf32>,
      %swap3A_113 = arith.index_cast %scan3A_29 : i32 to index
      %swap3A_114 = arith.constant 448 : index
      %swap3A_115 = tpu.vector_load %arg7[%swap3A_113, %swap3A_114] {strides = array<i32>} : memref<136x720xf32, #tpu.memory_space<vmem>>, vector<16xf32>,
      tpu.vector_store %arg7[%swap3A_113, %swap3A_114], %broadcast_in_dim3A_3 {strides = array<i32>} : memref<136x720xf32, #tpu.memory_space<vmem>>, vector<16xf32>,
      %swap3A_116 = arith.index_cast %scan3A_29 : i32 to index
      %swap3A_117 = arith.constant 464 : index
      %swap3A_118 = tpu.vector_load %arg7[%swap3A_116, %swap3A_117] {strides = array<i32>} : memref<136x720xf32, #tpu.memory_space<vmem>>, vector<16xf32>,
      tpu.vector_store %arg7[%swap3A_116, %swap3A_117], %broadcast_in_dim3A_3 {strides = array<i32>} : memref<136x720xf32, #tpu.memory_space<vmem>>, vector<16xf32>,
      %swap3A_119 = arith.index_cast %scan3A_29 : i32 to index
      %swap3A_120 = arith.constant 480 : index
      %swap3A_121 = tpu.vector_load %arg7[%swap3A_119, %swap3A_120] {strides = array<i32>} : memref<136x720xf32, #tpu.memory_space<vmem>>, vector<16xf32>,
      tpu.vector_store %arg7[%swap3A_119, %swap3A_120], %broadcast_in_dim3A_3 {strides = array<i32>} : memref<136x720xf32, #tpu.memory_space<vmem>>, vector<16xf32>,
      %swap3A_122 = arith.index_cast %scan3A_29 : i32 to index
      %swap3A_123 = arith.constant 496 : index
      %swap3A_124 = tpu.vector_load %arg7[%swap3A_122, %swap3A_123] {strides = array<i32>} : memref<136x720xf32, #tpu.memory_space<vmem>>, vector<16xf32>,
      tpu.vector_store %arg7[%swap3A_122, %swap3A_123], %broadcast_in_dim3A_3 {strides = array<i32>} : memref<136x720xf32, #tpu.memory_space<vmem>>, vector<16xf32>,
      %swap3A_125 = arith.index_cast %scan3A_29 : i32 to index
      %swap3A_126 = arith.constant 512 : index
      %swap3A_127 = tpu.vector_load %arg7[%swap3A_125, %swap3A_126] {strides = array<i32>} : memref<136x720xf32, #tpu.memory_space<vmem>>, vector<16xf32>,
      tpu.vector_store %arg7[%swap3A_125, %swap3A_126], %broadcast_in_dim3A_3 {strides = array<i32>} : memref<136x720xf32, #tpu.memory_space<vmem>>, vector<16xf32>,
      %swap3A_128 = arith.index_cast %scan3A_29 : i32 to index
      %swap3A_129 = arith.constant 528 : index
      %swap3A_130 = tpu.vector_load %arg7[%swap3A_128, %swap3A_129] {strides = array<i32>} : memref<136x720xf32, #tpu.memory_space<vmem>>, vector<16xf32>,
      tpu.vector_store %arg7[%swap3A_128, %swap3A_129], %broadcast_in_dim3A_3 {strides = array<i32>} : memref<136x720xf32, #tpu.memory_space<vmem>>, vector<16xf32>,
      %swap3A_131 = arith.index_cast %scan3A_29 : i32 to index
      %swap3A_132 = arith.constant 544 : index
      %swap3A_133 = tpu.vector_load %arg7[%swap3A_131, %swap3A_132] {strides = array<i32>} : memref<136x720xf32, #tpu.memory_space<vmem>>, vector<16xf32>,
      tpu.vector_store %arg7[%swap3A_131, %swap3A_132], %broadcast_in_dim3A_3 {strides = array<i32>} : memref<136x720xf32, #tpu.memory_space<vmem>>, vector<16xf32>,
      %swap3A_134 = arith.index_cast %scan3A_29 : i32 to index
      %swap3A_135 = arith.constant 560 : index
      %swap3A_136 = tpu.vector_load %arg7[%swap3A_134, %swap3A_135] {strides = array<i32>} : memref<136x720xf32, #tpu.memory_space<vmem>>, vector<16xf32>,
      tpu.vector_store %arg7[%swap3A_134, %swap3A_135], %broadcast_in_dim3A_3 {strides = array<i32>} : memref<136x720xf32, #tpu.memory_space<vmem>>, vector<16xf32>,
      %swap3A_137 = arith.index_cast %scan3A_29 : i32 to index
      %swap3A_138 = arith.constant 576 : index
      %swap3A_139 = tpu.vector_load %arg7[%swap3A_137, %swap3A_138] {strides = array<i32>} : memref<136x720xf32, #tpu.memory_space<vmem>>, vector<16xf32>,
      tpu.vector_store %arg7[%swap3A_137, %swap3A_138], %broadcast_in_dim3A_3 {strides = array<i32>} : memref<136x720xf32, #tpu.memory_space<vmem>>, vector<16xf32>,
      %swap3A_140 = arith.index_cast %scan3A_29 : i32 to index
      %swap3A_141 = arith.constant 592 : index
      %swap3A_142 = tpu.vector_load %arg7[%swap3A_140, %swap3A_141] {strides = array<i32>} : memref<136x720xf32, #tpu.memory_space<vmem>>, vector<16xf32>,
      tpu.vector_store %arg7[%swap3A_140, %swap3A_141], %broadcast_in_dim3A_3 {strides = array<i32>} : memref<136x720xf32, #tpu.memory_space<vmem>>, vector<16xf32>,
      %swap3A_143 = arith.index_cast %scan3A_29 : i32 to index
      %swap3A_144 = arith.constant 608 : index
      %swap3A_145 = tpu.vector_load %arg7[%swap3A_143, %swap3A_144] {strides = array<i32>} : memref<136x720xf32, #tpu.memory_space<vmem>>, vector<16xf32>,
      tpu.vector_store %arg7[%swap3A_143, %swap3A_144], %broadcast_in_dim3A_3 {strides = array<i32>} : memref<136x720xf32, #tpu.memory_space<vmem>>, vector<16xf32>,
      %swap3A_146 = arith.index_cast %scan3A_29 : i32 to index
      %swap3A_147 = arith.constant 624 : index
      %swap3A_148 = tpu.vector_load %arg7[%swap3A_146, %swap3A_147] {strides = array<i32>} : memref<136x720xf32, #tpu.memory_space<vmem>>, vector<16xf32>,
      tpu.vector_store %arg7[%swap3A_146, %swap3A_147], %broadcast_in_dim3A_3 {strides = array<i32>} : memref<136x720xf32, #tpu.memory_space<vmem>>, vector<16xf32>,
      %swap3A_149 = arith.index_cast %scan3A_29 : i32 to index
      %swap3A_150 = arith.constant 640 : index
      %swap3A_151 = tpu.vector_load %arg7[%swap3A_149, %swap3A_150] {strides = array<i32>} : memref<136x720xf32, #tpu.memory_space<vmem>>, vector<16xf32>,
      tpu.vector_store %arg7[%swap3A_149, %swap3A_150], %broadcast_in_dim3A_3 {strides = array<i32>} : memref<136x720xf32, #tpu.memory_space<vmem>>, vector<16xf32>,
      %swap3A_152 = arith.index_cast %scan3A_29 : i32 to index
      %swap3A_153 = arith.constant 656 : index
      %swap3A_154 = tpu.vector_load %arg7[%swap3A_152, %swap3A_153] {strides = array<i32>} : memref<136x720xf32, #tpu.memory_space<vmem>>, vector<16xf32>,
      tpu.vector_store %arg7[%swap3A_152, %swap3A_153], %broadcast_in_dim3A_3 {strides = array<i32>} : memref<136x720xf32, #tpu.memory_space<vmem>>, vector<16xf32>,
      %swap3A_155 = arith.index_cast %scan3A_29 : i32 to index
      %swap3A_156 = arith.constant 672 : index
      %swap3A_157 = tpu.vector_load %arg7[%swap3A_155, %swap3A_156] {strides = array<i32>} : memref<136x720xf32, #tpu.memory_space<vmem>>, vector<16xf32>,
      tpu.vector_store %arg7[%swap3A_155, %swap3A_156], %broadcast_in_dim3A_3 {strides = array<i32>} : memref<136x720xf32, #tpu.memory_space<vmem>>, vector<16xf32>,
      %swap3A_158 = arith.index_cast %scan3A_29 : i32 to index
      %swap3A_159 = arith.constant 688 : index
      %swap3A_160 = tpu.vector_load %arg7[%swap3A_158, %swap3A_159] {strides = array<i32>} : memref<136x720xf32, #tpu.memory_space<vmem>>, vector<16xf32>,
      tpu.vector_store %arg7[%swap3A_158, %swap3A_159], %broadcast_in_dim3A_3 {strides = array<i32>} : memref<136x720xf32, #tpu.memory_space<vmem>>, vector<16xf32>,
      %swap3A_161 = arith.index_cast %scan3A_29 : i32 to index
      %swap3A_162 = arith.constant 704 : index
      %swap3A_163 = tpu.vector_load %arg7[%swap3A_161, %swap3A_162] {strides = array<i32>} : memref<136x720xf32, #tpu.memory_space<vmem>>, vector<16xf32>,
      tpu.vector_store %arg7[%swap3A_161, %swap3A_162], %broadcast_in_dim3A_3 {strides = array<i32>} : memref<136x720xf32, #tpu.memory_space<vmem>>, vector<16xf32>,
    }
    %scan3A_8 = arith.constant 136 : i32
    %iota3A = tpu.iota {dimensions = array<i32: 0>} : vector<16xi32>
    %add3A_9 = arith.constant 0 : i32
    %add3A_10 = arith.addi %mul3A_2, %add3A_9 : i32
    "tpu.region"() ({
      %run_scoped3A = tpu.sem_alloc : memref<!tpu.dma_semaphore, #tpu.memory_space<semaphore_mem>>
      %dma_start3A = arith.constant 0 : i32
      %dma_start3A_29 = arith.constant 0 : i32
      %dma_start3A_30 = tpu.memref_slice %arg5[%dma_start3A, %dma_start3A_29] : memref<72x64xi32, #tpu.memory_space<vmem>> -> memref<72x64xi32, #tpu.memory_space<vmem>>
      %dma_start3A_31 = arith.constant 0 : i32
      %dma_start3A_32 = tpu.memref_slice %arg2[%add3A_10, %dma_start3A_31] : memref<4352x64xi32, #tpu.memory_space<hbm>> -> memref<72x64xi32, #tpu.memory_space<hbm>>
      %dma_start3A_33 = arith.constant 0 : i32
      %dma_start3A_34 = arith.constant 0 : i32
      %dma_start3A_35 = tpu.memref_slice %arg5[%dma_start3A_33, %dma_start3A_34] : memref<72x64xi32, #tpu.memory_space<vmem>> -> memref<72x64xi32, #tpu.memory_space<vmem>>
      %dma_start3A_36 = arith.constant 0 : i32
      %dma_start3A_37 = tpu.memref_slice %arg2[%add3A_10, %dma_start3A_36] : memref<4352x64xi32, #tpu.memory_space<hbm>> -> memref<72x64xi32, #tpu.memory_space<hbm>>
      tpu.enqueue_dma source(%dma_start3A_37 : memref<72x64xi32, #tpu.memory_space<hbm>>) target(%dma_start3A_35 : memref<72x64xi32, #tpu.memory_space<vmem>>) target_semaphore(%run_scoped3A : memref<!tpu.dma_semaphore, #tpu.memory_space<semaphore_mem>>)
      %dma_wait3A = arith.constant 0 : i32
      %dma_wait3A_38 = arith.constant 0 : i32
      %dma_wait3A_39 = tpu.memref_slice %arg5[%dma_wait3A, %dma_wait3A_38] : memref<72x64xi32, #tpu.memory_space<vmem>> -> memref<72x64xi32, #tpu.memory_space<vmem>>
      %dma_wait3A_40 = arith.constant 0 : i32
      %dma_wait3A_41 = tpu.memref_slice %arg2[%add3A_10, %dma_wait3A_40] : memref<4352x64xi32, #tpu.memory_space<hbm>> -> memref<72x64xi32, #tpu.memory_space<hbm>>
      %dma_wait3A_42 = arith.constant 0 : i32
      %dma_wait3A_43 = arith.constant 0 : i32
      %dma_wait3A_44 = tpu.memref_slice %arg5[%dma_wait3A_42, %dma_wait3A_43] : memref<72x64xi32, #tpu.memory_space<vmem>> -> memref<72x64xi32, #tpu.memory_space<vmem>>
      %dma_wait3A_45 = arith.constant 0 : i32
      %dma_wait3A_46 = tpu.memref_slice %arg2[%add3A_10, %dma_wait3A_45] : memref<4352x64xi32, #tpu.memory_space<hbm>> -> memref<72x64xi32, #tpu.memory_space<hbm>>
      tpu.wait_dma2 semaphore(%run_scoped3A : memref<!tpu.dma_semaphore, #tpu.memory_space<semaphore_mem>>) src(%dma_wait3A_46 : memref<72x64xi32, #tpu.memory_space<hbm>>) dst(%dma_wait3A_44 : memref<72x64xi32, #tpu.memory_space<vmem>>)
      tpu.yield
    }) : () -> ()
    %add3A_11 = arith.constant 0 : i32
    %add3A_12 = arith.addi %mul3A_2, %add3A_11 : i32
    "tpu.region"() ({
      %run_scoped3A = tpu.sem_alloc : memref<!tpu.dma_semaphore, #tpu.memory_space<semaphore_mem>>
      %dma_start3A = arith.constant 0 : i32
      %dma_start3A_29 = arith.constant 0 : i32
      %dma_start3A_30 = tpu.memref_slice %arg6[%dma_start3A, %dma_start3A_29] : memref<72x64xf32, #tpu.memory_space<vmem>> -> memref<72x64xf32, #tpu.memory_space<vmem>>
      %dma_start3A_31 = arith.constant 0 : i32
      %dma_start3A_32 = tpu.memref_slice %arg3[%add3A_12, %dma_start3A_31] : memref<4352x64xf32, #tpu.memory_space<hbm>> -> memref<72x64xf32, #tpu.memory_space<hbm>>
      %dma_start3A_33 = arith.constant 0 : i32
      %dma_start3A_34 = arith.constant 0 : i32
      %dma_start3A_35 = tpu.memref_slice %arg6[%dma_start3A_33, %dma_start3A_34] : memref<72x64xf32, #tpu.memory_space<vmem>> -> memref<72x64xf32, #tpu.memory_space<vmem>>
      %dma_start3A_36 = arith.constant 0 : i32
      %dma_start3A_37 = tpu.memref_slice %arg3[%add3A_12, %dma_start3A_36] : memref<4352x64xf32, #tpu.memory_space<hbm>> -> memref<72x64xf32, #tpu.memory_space<hbm>>
      tpu.enqueue_dma source(%dma_start3A_37 : memref<72x64xf32, #tpu.memory_space<hbm>>) target(%dma_start3A_35 : memref<72x64xf32, #tpu.memory_space<vmem>>) target_semaphore(%run_scoped3A : memref<!tpu.dma_semaphore, #tpu.memory_space<semaphore_mem>>)
      %dma_wait3A = arith.constant 0 : i32
      %dma_wait3A_38 = arith.constant 0 : i32
      %dma_wait3A_39 = tpu.memref_slice %arg6[%dma_wait3A, %dma_wait3A_38] : memref<72x64xf32, #tpu.memory_space<vmem>> -> memref<72x64xf32, #tpu.memory_space<vmem>>
      %dma_wait3A_40 = arith.constant 0 : i32
      %dma_wait3A_41 = tpu.memref_slice %arg3[%add3A_12, %dma_wait3A_40] : memref<4352x64xf32, #tpu.memory_space<hbm>> -> memref<72x64xf32, #tpu.memory_space<hbm>>
      %dma_wait3A_42 = arith.constant 0 : i32
      %dma_wait3A_43 = arith.constant 0 : i32
      %dma_wait3A_44 = tpu.memref_slice %arg6[%dma_wait3A_42, %dma_wait3A_43] : memref<72x64xf32, #tpu.memory_space<vmem>> -> memref<72x64xf32, #tpu.memory_space<vmem>>
      %dma_wait3A_45 = arith.constant 0 : i32
      %dma_wait3A_46 = tpu.memref_slice %arg3[%add3A_12, %dma_wait3A_45] : memref<4352x64xf32, #tpu.memory_space<hbm>> -> memref<72x64xf32, #tpu.memory_space<hbm>>
      tpu.wait_dma2 semaphore(%run_scoped3A : memref<!tpu.dma_semaphore, #tpu.memory_space<semaphore_mem>>) src(%dma_wait3A_46 : memref<72x64xf32, #tpu.memory_space<hbm>>) dst(%dma_wait3A_44 : memref<72x64xf32, #tpu.memory_space<vmem>>)
      tpu.yield
    }) : () -> ()
    %scan3A_13 = arith.constant 0 : i32
    %scan3A_14 = arith.constant 0 : i32
    %scan3A_15 = arith.constant 64 : i32
    %scan3A_16 = arith.addi %scan3A_14, %scan3A_15 : i32
    %scan3A_17 = arith.constant 1 : i32
    scf.for %scan3A_29 = %scan3A_14 to %scan3A_16 step %scan3A_17  : i32 {
      %broadcast_in_dim3A_30 = vector.broadcast %scan3A_29 : i32 to vector<16xi32>
      %add3A_31 = arith.constant 0 : i32
      %add3A_32 = vector.broadcast %add3A_31 : i32 to vector<16xi32>
      %add3A_33 = arith.addi %add3A_32, %iota3A : vector<16xi32>
      %min3A = arith.constant 71 : i32
      %min3A_34 = vector.broadcast %min3A : i32 to vector<16xi32>
      %min3A_35 = arith.minsi %add3A_33, %min3A_34 : vector<16xi32>
      %add3A_36 = arith.constant 0 : i32
      %add3A_37 = vector.broadcast %add3A_36 : i32 to vector<16xi32>
      %add3A_38 = arith.addi %add3A_37, %iota3A : vector<16xi32>
      %lt3A = arith.constant 72 : i32
      %lt3A_39 = vector.broadcast %lt3A : i32 to vector<16xi32>
      %lt3A_40 = arith.cmpi slt, %add3A_38, %lt3A_39 : vector<16xi32>
      %add3A_41 = arith.constant 0 : i32
      %add3A_42 = arith.addi %mul3A_2, %add3A_41 : i32
      %add3A_43 = arith.constant 0 : i32
      %add3A_44 = arith.addi %add3A_42, %add3A_43 : i32
      %add3A_45 = vector.broadcast %add3A_44 : i32 to vector<16xi32>
      %add3A_46 = arith.addi %add3A_45, %iota3A : vector<16xi32>
      %lt3A_47 = arith.constant 4320 : i32
      %lt3A_48 = vector.broadcast %lt3A_47 : i32 to vector<16xi32>
      %lt3A_49 = arith.cmpi slt, %add3A_46, %lt3A_48 : vector<16xi32>
      %and3A = arith.andi %lt3A_40, %lt3A_49 : vector<16xi1>
      %gather3A = tpu.vector_load_idx %arg5[%min3A_35, %broadcast_in_dim3A_30] : memref<72x64xi32, #tpu.memory_space<vmem>>[vector<16xi32>, vector<16xi32>], vector<16xi32>,
      %gather3A_50 = tpu.vector_load_idx %arg6[%min3A_35, %broadcast_in_dim3A_30] : memref<72x64xf32, #tpu.memory_space<vmem>>[vector<16xi32>, vector<16xi32>], vector<16xf32>,
      %add3A_51 = arith.constant 0 : i32
      %add3A_52 = vector.broadcast %add3A_51 : i32 to vector<16xi32>
      %add3A_53 = arith.addi %add3A_52, %min3A_35 : vector<16xi32>
      tpu.vector_store_idx %arg7[%add3A_53, %gather3A], %gather3A_50 masked %and3A {add = true} : memref<136x720xf32, #tpu.memory_space<vmem>>[vector<16xi32>, vector<16xi32>], vector<16xf32>, vector<16xi1>
      %add3A_54 = arith.constant 16 : i32
      %add3A_55 = vector.broadcast %add3A_54 : i32 to vector<16xi32>
      %add3A_56 = arith.addi %add3A_55, %iota3A : vector<16xi32>
      %min3A_57 = arith.constant 71 : i32
      %min3A_58 = vector.broadcast %min3A_57 : i32 to vector<16xi32>
      %min3A_59 = arith.minsi %add3A_56, %min3A_58 : vector<16xi32>
      %add3A_60 = arith.constant 16 : i32
      %add3A_61 = vector.broadcast %add3A_60 : i32 to vector<16xi32>
      %add3A_62 = arith.addi %add3A_61, %iota3A : vector<16xi32>
      %lt3A_63 = arith.constant 72 : i32
      %lt3A_64 = vector.broadcast %lt3A_63 : i32 to vector<16xi32>
      %lt3A_65 = arith.cmpi slt, %add3A_62, %lt3A_64 : vector<16xi32>
      %add3A_66 = arith.constant 0 : i32
      %add3A_67 = arith.addi %mul3A_2, %add3A_66 : i32
      %add3A_68 = arith.constant 16 : i32
      %add3A_69 = arith.addi %add3A_67, %add3A_68 : i32
      %add3A_70 = vector.broadcast %add3A_69 : i32 to vector<16xi32>
      %add3A_71 = arith.addi %add3A_70, %iota3A : vector<16xi32>
      %lt3A_72 = arith.constant 4320 : i32
      %lt3A_73 = vector.broadcast %lt3A_72 : i32 to vector<16xi32>
      %lt3A_74 = arith.cmpi slt, %add3A_71, %lt3A_73 : vector<16xi32>
      %and3A_75 = arith.andi %lt3A_65, %lt3A_74 : vector<16xi1>
      %gather3A_76 = tpu.vector_load_idx %arg5[%min3A_59, %broadcast_in_dim3A_30] : memref<72x64xi32, #tpu.memory_space<vmem>>[vector<16xi32>, vector<16xi32>], vector<16xi32>,
      %gather3A_77 = tpu.vector_load_idx %arg6[%min3A_59, %broadcast_in_dim3A_30] : memref<72x64xf32, #tpu.memory_space<vmem>>[vector<16xi32>, vector<16xi32>], vector<16xf32>,
      %add3A_78 = arith.constant 0 : i32
      %add3A_79 = vector.broadcast %add3A_78 : i32 to vector<16xi32>
      %add3A_80 = arith.addi %add3A_79, %min3A_59 : vector<16xi32>
      tpu.vector_store_idx %arg7[%add3A_80, %gather3A_76], %gather3A_77 masked %and3A_75 {add = true} : memref<136x720xf32, #tpu.memory_space<vmem>>[vector<16xi32>, vector<16xi32>], vector<16xf32>, vector<16xi1>
      %add3A_81 = arith.constant 32 : i32
      %add3A_82 = vector.broadcast %add3A_81 : i32 to vector<16xi32>
      %add3A_83 = arith.addi %add3A_82, %iota3A : vector<16xi32>
      %min3A_84 = arith.constant 71 : i32
      %min3A_85 = vector.broadcast %min3A_84 : i32 to vector<16xi32>
      %min3A_86 = arith.minsi %add3A_83, %min3A_85 : vector<16xi32>
      %add3A_87 = arith.constant 32 : i32
      %add3A_88 = vector.broadcast %add3A_87 : i32 to vector<16xi32>
      %add3A_89 = arith.addi %add3A_88, %iota3A : vector<16xi32>
      %lt3A_90 = arith.constant 72 : i32
      %lt3A_91 = vector.broadcast %lt3A_90 : i32 to vector<16xi32>
      %lt3A_92 = arith.cmpi slt, %add3A_89, %lt3A_91 : vector<16xi32>
      %add3A_93 = arith.constant 0 : i32
      %add3A_94 = arith.addi %mul3A_2, %add3A_93 : i32
      %add3A_95 = arith.constant 32 : i32
      %add3A_96 = arith.addi %add3A_94, %add3A_95 : i32
      %add3A_97 = vector.broadcast %add3A_96 : i32 to vector<16xi32>
      %add3A_98 = arith.addi %add3A_97, %iota3A : vector<16xi32>
      %lt3A_99 = arith.constant 4320 : i32
      %lt3A_100 = vector.broadcast %lt3A_99 : i32 to vector<16xi32>
      %lt3A_101 = arith.cmpi slt, %add3A_98, %lt3A_100 : vector<16xi32>
      %and3A_102 = arith.andi %lt3A_92, %lt3A_101 : vector<16xi1>
      %gather3A_103 = tpu.vector_load_idx %arg5[%min3A_86, %broadcast_in_dim3A_30] : memref<72x64xi32, #tpu.memory_space<vmem>>[vector<16xi32>, vector<16xi32>], vector<16xi32>,
      %gather3A_104 = tpu.vector_load_idx %arg6[%min3A_86, %broadcast_in_dim3A_30] : memref<72x64xf32, #tpu.memory_space<vmem>>[vector<16xi32>, vector<16xi32>], vector<16xf32>,
      %add3A_105 = arith.constant 0 : i32
      %add3A_106 = vector.broadcast %add3A_105 : i32 to vector<16xi32>
      %add3A_107 = arith.addi %add3A_106, %min3A_86 : vector<16xi32>
      tpu.vector_store_idx %arg7[%add3A_107, %gather3A_103], %gather3A_104 masked %and3A_102 {add = true} : memref<136x720xf32, #tpu.memory_space<vmem>>[vector<16xi32>, vector<16xi32>], vector<16xf32>, vector<16xi1>
      %add3A_108 = arith.constant 48 : i32
      %add3A_109 = vector.broadcast %add3A_108 : i32 to vector<16xi32>
      %add3A_110 = arith.addi %add3A_109, %iota3A : vector<16xi32>
      %min3A_111 = arith.constant 71 : i32
      %min3A_112 = vector.broadcast %min3A_111 : i32 to vector<16xi32>
      %min3A_113 = arith.minsi %add3A_110, %min3A_112 : vector<16xi32>
      %add3A_114 = arith.constant 48 : i32
      %add3A_115 = vector.broadcast %add3A_114 : i32 to vector<16xi32>
      %add3A_116 = arith.addi %add3A_115, %iota3A : vector<16xi32>
      %lt3A_117 = arith.constant 72 : i32
      %lt3A_118 = vector.broadcast %lt3A_117 : i32 to vector<16xi32>
      %lt3A_119 = arith.cmpi slt, %add3A_116, %lt3A_118 : vector<16xi32>
      %add3A_120 = arith.constant 0 : i32
      %add3A_121 = arith.addi %mul3A_2, %add3A_120 : i32
      %add3A_122 = arith.constant 48 : i32
      %add3A_123 = arith.addi %add3A_121, %add3A_122 : i32
      %add3A_124 = vector.broadcast %add3A_123 : i32 to vector<16xi32>
      %add3A_125 = arith.addi %add3A_124, %iota3A : vector<16xi32>
      %lt3A_126 = arith.constant 4320 : i32
      %lt3A_127 = vector.broadcast %lt3A_126 : i32 to vector<16xi32>
      %lt3A_128 = arith.cmpi slt, %add3A_125, %lt3A_127 : vector<16xi32>
      %and3A_129 = arith.andi %lt3A_119, %lt3A_128 : vector<16xi1>
      %gather3A_130 = tpu.vector_load_idx %arg5[%min3A_113, %broadcast_in_dim3A_30] : memref<72x64xi32, #tpu.memory_space<vmem>>[vector<16xi32>, vector<16xi32>], vector<16xi32>,
      %gather3A_131 = tpu.vector_load_idx %arg6[%min3A_113, %broadcast_in_dim3A_30] : memref<72x64xf32, #tpu.memory_space<vmem>>[vector<16xi32>, vector<16xi32>], vector<16xf32>,
      %add3A_132 = arith.constant 0 : i32
      %add3A_133 = vector.broadcast %add3A_132 : i32 to vector<16xi32>
      %add3A_134 = arith.addi %add3A_133, %min3A_113 : vector<16xi32>
      tpu.vector_store_idx %arg7[%add3A_134, %gather3A_130], %gather3A_131 masked %and3A_129 {add = true} : memref<136x720xf32, #tpu.memory_space<vmem>>[vector<16xi32>, vector<16xi32>], vector<16xf32>, vector<16xi1>
      %add3A_135 = arith.constant 64 : i32
      %add3A_136 = vector.broadcast %add3A_135 : i32 to vector<16xi32>
      %add3A_137 = arith.addi %add3A_136, %iota3A : vector<16xi32>
      %min3A_138 = arith.constant 71 : i32
      %min3A_139 = vector.broadcast %min3A_138 : i32 to vector<16xi32>
      %min3A_140 = arith.minsi %add3A_137, %min3A_139 : vector<16xi32>
      %add3A_141 = arith.constant 64 : i32
      %add3A_142 = vector.broadcast %add3A_141 : i32 to vector<16xi32>
      %add3A_143 = arith.addi %add3A_142, %iota3A : vector<16xi32>
      %lt3A_144 = arith.constant 72 : i32
      %lt3A_145 = vector.broadcast %lt3A_144 : i32 to vector<16xi32>
      %lt3A_146 = arith.cmpi slt, %add3A_143, %lt3A_145 : vector<16xi32>
      %add3A_147 = arith.constant 0 : i32
      %add3A_148 = arith.addi %mul3A_2, %add3A_147 : i32
      %add3A_149 = arith.constant 64 : i32
      %add3A_150 = arith.addi %add3A_148, %add3A_149 : i32
      %add3A_151 = vector.broadcast %add3A_150 : i32 to vector<16xi32>
      %add3A_152 = arith.addi %add3A_151, %iota3A : vector<16xi32>
      %lt3A_153 = arith.constant 4320 : i32
      %lt3A_154 = vector.broadcast %lt3A_153 : i32 to vector<16xi32>
      %lt3A_155 = arith.cmpi slt, %add3A_152, %lt3A_154 : vector<16xi32>
      %and3A_156 = arith.andi %lt3A_146, %lt3A_155 : vector<16xi1>
      %gather3A_157 = tpu.vector_load_idx %arg5[%min3A_140, %broadcast_in_dim3A_30] : memref<72x64xi32, #tpu.memory_space<vmem>>[vector<16xi32>, vector<16xi32>], vector<16xi32>,
      %gather3A_158 = tpu.vector_load_idx %arg6[%min3A_140, %broadcast_in_dim3A_30] : memref<72x64xf32, #tpu.memory_space<vmem>>[vector<16xi32>, vector<16xi32>], vector<16xf32>,
      %add3A_159 = arith.constant 0 : i32
      %add3A_160 = vector.broadcast %add3A_159 : i32 to vector<16xi32>
      %add3A_161 = arith.addi %add3A_160, %min3A_140 : vector<16xi32>
      tpu.vector_store_idx %arg7[%add3A_161, %gather3A_157], %gather3A_158 masked %and3A_156 {add = true} : memref<136x720xf32, #tpu.memory_space<vmem>>[vector<16xi32>, vector<16xi32>], vector<16xf32>, vector<16xi1>
    }
    %scan3A_18 = arith.constant 64 : i32
    %add3A_19 = arith.constant 72 : i32
    %add3A_20 = arith.addi %mul3A_2, %add3A_19 : i32
    "tpu.region"() ({
      %run_scoped3A = tpu.sem_alloc : memref<!tpu.dma_semaphore, #tpu.memory_space<semaphore_mem>>
      %dma_start3A = arith.constant 0 : i32
      %dma_start3A_29 = arith.constant 0 : i32
      %dma_start3A_30 = tpu.memref_slice %arg5[%dma_start3A, %dma_start3A_29] : memref<72x64xi32, #tpu.memory_space<vmem>> -> memref<64x64xi32, #tpu.memory_space<vmem>>
      %dma_start3A_31 = arith.constant 0 : i32
      %dma_start3A_32 = tpu.memref_slice %arg2[%add3A_20, %dma_start3A_31] : memref<4352x64xi32, #tpu.memory_space<hbm>> -> memref<64x64xi32, #tpu.memory_space<hbm>>
      %dma_start3A_33 = arith.constant 0 : i32
      %dma_start3A_34 = arith.constant 0 : i32
      %dma_start3A_35 = tpu.memref_slice %arg5[%dma_start3A_33, %dma_start3A_34] : memref<72x64xi32, #tpu.memory_space<vmem>> -> memref<64x64xi32, #tpu.memory_space<vmem>>
      %dma_start3A_36 = arith.constant 0 : i32
      %dma_start3A_37 = tpu.memref_slice %arg2[%add3A_20, %dma_start3A_36] : memref<4352x64xi32, #tpu.memory_space<hbm>> -> memref<64x64xi32, #tpu.memory_space<hbm>>
      tpu.enqueue_dma source(%dma_start3A_37 : memref<64x64xi32, #tpu.memory_space<hbm>>) target(%dma_start3A_35 : memref<64x64xi32, #tpu.memory_space<vmem>>) target_semaphore(%run_scoped3A : memref<!tpu.dma_semaphore, #tpu.memory_space<semaphore_mem>>)
      %dma_wait3A = arith.constant 0 : i32
      %dma_wait3A_38 = arith.constant 0 : i32
      %dma_wait3A_39 = tpu.memref_slice %arg5[%dma_wait3A, %dma_wait3A_38] : memref<72x64xi32, #tpu.memory_space<vmem>> -> memref<64x64xi32, #tpu.memory_space<vmem>>
      %dma_wait3A_40 = arith.constant 0 : i32
      %dma_wait3A_41 = tpu.memref_slice %arg2[%add3A_20, %dma_wait3A_40] : memref<4352x64xi32, #tpu.memory_space<hbm>> -> memref<64x64xi32, #tpu.memory_space<hbm>>
      %dma_wait3A_42 = arith.constant 0 : i32
      %dma_wait3A_43 = arith.constant 0 : i32
      %dma_wait3A_44 = tpu.memref_slice %arg5[%dma_wait3A_42, %dma_wait3A_43] : memref<72x64xi32, #tpu.memory_space<vmem>> -> memref<64x64xi32, #tpu.memory_space<vmem>>
      %dma_wait3A_45 = arith.constant 0 : i32
      %dma_wait3A_46 = tpu.memref_slice %arg2[%add3A_20, %dma_wait3A_45] : memref<4352x64xi32, #tpu.memory_space<hbm>> -> memref<64x64xi32, #tpu.memory_space<hbm>>
      tpu.wait_dma2 semaphore(%run_scoped3A : memref<!tpu.dma_semaphore, #tpu.memory_space<semaphore_mem>>) src(%dma_wait3A_46 : memref<64x64xi32, #tpu.memory_space<hbm>>) dst(%dma_wait3A_44 : memref<64x64xi32, #tpu.memory_space<vmem>>)
      tpu.yield
    }) : () -> ()
    %add3A_21 = arith.constant 72 : i32
    %add3A_22 = arith.addi %mul3A_2, %add3A_21 : i32
    "tpu.region"() ({
      %run_scoped3A = tpu.sem_alloc : memref<!tpu.dma_semaphore, #tpu.memory_space<semaphore_mem>>
      %dma_start3A = arith.constant 0 : i32
      %dma_start3A_29 = arith.constant 0 : i32
      %dma_start3A_30 = tpu.memref_slice %arg6[%dma_start3A, %dma_start3A_29] : memref<72x64xf32, #tpu.memory_space<vmem>> -> memref<64x64xf32, #tpu.memory_space<vmem>>
      %dma_start3A_31 = arith.constant 0 : i32
      %dma_start3A_32 = tpu.memref_slice %arg3[%add3A_22, %dma_start3A_31] : memref<4352x64xf32, #tpu.memory_space<hbm>> -> memref<64x64xf32, #tpu.memory_space<hbm>>
      %dma_start3A_33 = arith.constant 0 : i32
      %dma_start3A_34 = arith.constant 0 : i32
      %dma_start3A_35 = tpu.memref_slice %arg6[%dma_start3A_33, %dma_start3A_34] : memref<72x64xf32, #tpu.memory_space<vmem>> -> memref<64x64xf32, #tpu.memory_space<vmem>>
      %dma_start3A_36 = arith.constant 0 : i32
      %dma_start3A_37 = tpu.memref_slice %arg3[%add3A_22, %dma_start3A_36] : memref<4352x64xf32, #tpu.memory_space<hbm>> -> memref<64x64xf32, #tpu.memory_space<hbm>>
      tpu.enqueue_dma source(%dma_start3A_37 : memref<64x64xf32, #tpu.memory_space<hbm>>) target(%dma_start3A_35 : memref<64x64xf32, #tpu.memory_space<vmem>>) target_semaphore(%run_scoped3A : memref<!tpu.dma_semaphore, #tpu.memory_space<semaphore_mem>>)
      %dma_wait3A = arith.constant 0 : i32
      %dma_wait3A_38 = arith.constant 0 : i32
      %dma_wait3A_39 = tpu.memref_slice %arg6[%dma_wait3A, %dma_wait3A_38] : memref<72x64xf32, #tpu.memory_space<vmem>> -> memref<64x64xf32, #tpu.memory_space<vmem>>
      %dma_wait3A_40 = arith.constant 0 : i32
      %dma_wait3A_41 = tpu.memref_slice %arg3[%add3A_22, %dma_wait3A_40] : memref<4352x64xf32, #tpu.memory_space<hbm>> -> memref<64x64xf32, #tpu.memory_space<hbm>>
      %dma_wait3A_42 = arith.constant 0 : i32
      %dma_wait3A_43 = arith.constant 0 : i32
      %dma_wait3A_44 = tpu.memref_slice %arg6[%dma_wait3A_42, %dma_wait3A_43] : memref<72x64xf32, #tpu.memory_space<vmem>> -> memref<64x64xf32, #tpu.memory_space<vmem>>
      %dma_wait3A_45 = arith.constant 0 : i32
      %dma_wait3A_46 = tpu.memref_slice %arg3[%add3A_22, %dma_wait3A_45] : memref<4352x64xf32, #tpu.memory_space<hbm>> -> memref<64x64xf32, #tpu.memory_space<hbm>>
      tpu.wait_dma2 semaphore(%run_scoped3A : memref<!tpu.dma_semaphore, #tpu.memory_space<semaphore_mem>>) src(%dma_wait3A_46 : memref<64x64xf32, #tpu.memory_space<hbm>>) dst(%dma_wait3A_44 : memref<64x64xf32, #tpu.memory_space<vmem>>)
      tpu.yield
    }) : () -> ()
    %scan3A_23 = arith.constant 0 : i32
    %scan3A_24 = arith.constant 0 : i32
    %scan3A_25 = arith.constant 64 : i32
    %scan3A_26 = arith.addi %scan3A_24, %scan3A_25 : i32
    %scan3A_27 = arith.constant 1 : i32
    scf.for %scan3A_29 = %scan3A_24 to %scan3A_26 step %scan3A_27  : i32 {
      %broadcast_in_dim3A_30 = vector.broadcast %scan3A_29 : i32 to vector<16xi32>
      %add3A_31 = arith.constant 0 : i32
      %add3A_32 = vector.broadcast %add3A_31 : i32 to vector<16xi32>
      %add3A_33 = arith.addi %add3A_32, %iota3A : vector<16xi32>
      %min3A = arith.constant 63 : i32
      %min3A_34 = vector.broadcast %min3A : i32 to vector<16xi32>
      %min3A_35 = arith.minsi %add3A_33, %min3A_34 : vector<16xi32>
      %add3A_36 = arith.constant 0 : i32
      %add3A_37 = vector.broadcast %add3A_36 : i32 to vector<16xi32>
      %add3A_38 = arith.addi %add3A_37, %iota3A : vector<16xi32>
      %lt3A = arith.constant 64 : i32
      %lt3A_39 = vector.broadcast %lt3A : i32 to vector<16xi32>
      %lt3A_40 = arith.cmpi slt, %add3A_38, %lt3A_39 : vector<16xi32>
      %add3A_41 = arith.constant 72 : i32
      %add3A_42 = arith.addi %mul3A_2, %add3A_41 : i32
      %add3A_43 = arith.constant 0 : i32
      %add3A_44 = arith.addi %add3A_42, %add3A_43 : i32
      %add3A_45 = vector.broadcast %add3A_44 : i32 to vector<16xi32>
      %add3A_46 = arith.addi %add3A_45, %iota3A : vector<16xi32>
      %lt3A_47 = arith.constant 4320 : i32
      %lt3A_48 = vector.broadcast %lt3A_47 : i32 to vector<16xi32>
      %lt3A_49 = arith.cmpi slt, %add3A_46, %lt3A_48 : vector<16xi32>
      %and3A = arith.andi %lt3A_40, %lt3A_49 : vector<16xi1>
      %gather3A = tpu.vector_load_idx %arg5[%min3A_35, %broadcast_in_dim3A_30] : memref<72x64xi32, #tpu.memory_space<vmem>>[vector<16xi32>, vector<16xi32>], vector<16xi32>,
      %gather3A_50 = tpu.vector_load_idx %arg6[%min3A_35, %broadcast_in_dim3A_30] : memref<72x64xf32, #tpu.memory_space<vmem>>[vector<16xi32>, vector<16xi32>], vector<16xf32>,
      %add3A_51 = arith.constant 72 : i32
      %add3A_52 = vector.broadcast %add3A_51 : i32 to vector<16xi32>
      %add3A_53 = arith.addi %add3A_52, %min3A_35 : vector<16xi32>
      tpu.vector_store_idx %arg7[%add3A_53, %gather3A], %gather3A_50 masked %and3A {add = true} : memref<136x720xf32, #tpu.memory_space<vmem>>[vector<16xi32>, vector<16xi32>], vector<16xf32>, vector<16xi1>
      %add3A_54 = arith.constant 16 : i32
      %add3A_55 = vector.broadcast %add3A_54 : i32 to vector<16xi32>
      %add3A_56 = arith.addi %add3A_55, %iota3A : vector<16xi32>
      %min3A_57 = arith.constant 63 : i32
      %min3A_58 = vector.broadcast %min3A_57 : i32 to vector<16xi32>
      %min3A_59 = arith.minsi %add3A_56, %min3A_58 : vector<16xi32>
      %add3A_60 = arith.constant 16 : i32
      %add3A_61 = vector.broadcast %add3A_60 : i32 to vector<16xi32>
      %add3A_62 = arith.addi %add3A_61, %iota3A : vector<16xi32>
      %lt3A_63 = arith.constant 64 : i32
      %lt3A_64 = vector.broadcast %lt3A_63 : i32 to vector<16xi32>
      %lt3A_65 = arith.cmpi slt, %add3A_62, %lt3A_64 : vector<16xi32>
      %add3A_66 = arith.constant 72 : i32
      %add3A_67 = arith.addi %mul3A_2, %add3A_66 : i32
      %add3A_68 = arith.constant 16 : i32
      %add3A_69 = arith.addi %add3A_67, %add3A_68 : i32
      %add3A_70 = vector.broadcast %add3A_69 : i32 to vector<16xi32>
      %add3A_71 = arith.addi %add3A_70, %iota3A : vector<16xi32>
      %lt3A_72 = arith.constant 4320 : i32
      %lt3A_73 = vector.broadcast %lt3A_72 : i32 to vector<16xi32>
      %lt3A_74 = arith.cmpi slt, %add3A_71, %lt3A_73 : vector<16xi32>
      %and3A_75 = arith.andi %lt3A_65, %lt3A_74 : vector<16xi1>
      %gather3A_76 = tpu.vector_load_idx %arg5[%min3A_59, %broadcast_in_dim3A_30] : memref<72x64xi32, #tpu.memory_space<vmem>>[vector<16xi32>, vector<16xi32>], vector<16xi32>,
      %gather3A_77 = tpu.vector_load_idx %arg6[%min3A_59, %broadcast_in_dim3A_30] : memref<72x64xf32, #tpu.memory_space<vmem>>[vector<16xi32>, vector<16xi32>], vector<16xf32>,
      %add3A_78 = arith.constant 72 : i32
      %add3A_79 = vector.broadcast %add3A_78 : i32 to vector<16xi32>
      %add3A_80 = arith.addi %add3A_79, %min3A_59 : vector<16xi32>
      tpu.vector_store_idx %arg7[%add3A_80, %gather3A_76], %gather3A_77 masked %and3A_75 {add = true} : memref<136x720xf32, #tpu.memory_space<vmem>>[vector<16xi32>, vector<16xi32>], vector<16xf32>, vector<16xi1>
      %add3A_81 = arith.constant 32 : i32
      %add3A_82 = vector.broadcast %add3A_81 : i32 to vector<16xi32>
      %add3A_83 = arith.addi %add3A_82, %iota3A : vector<16xi32>
      %min3A_84 = arith.constant 63 : i32
      %min3A_85 = vector.broadcast %min3A_84 : i32 to vector<16xi32>
      %min3A_86 = arith.minsi %add3A_83, %min3A_85 : vector<16xi32>
      %add3A_87 = arith.constant 32 : i32
      %add3A_88 = vector.broadcast %add3A_87 : i32 to vector<16xi32>
      %add3A_89 = arith.addi %add3A_88, %iota3A : vector<16xi32>
      %lt3A_90 = arith.constant 64 : i32
      %lt3A_91 = vector.broadcast %lt3A_90 : i32 to vector<16xi32>
      %lt3A_92 = arith.cmpi slt, %add3A_89, %lt3A_91 : vector<16xi32>
      %add3A_93 = arith.constant 72 : i32
      %add3A_94 = arith.addi %mul3A_2, %add3A_93 : i32
      %add3A_95 = arith.constant 32 : i32
      %add3A_96 = arith.addi %add3A_94, %add3A_95 : i32
      %add3A_97 = vector.broadcast %add3A_96 : i32 to vector<16xi32>
      %add3A_98 = arith.addi %add3A_97, %iota3A : vector<16xi32>
      %lt3A_99 = arith.constant 4320 : i32
      %lt3A_100 = vector.broadcast %lt3A_99 : i32 to vector<16xi32>
      %lt3A_101 = arith.cmpi slt, %add3A_98, %lt3A_100 : vector<16xi32>
      %and3A_102 = arith.andi %lt3A_92, %lt3A_101 : vector<16xi1>
      %gather3A_103 = tpu.vector_load_idx %arg5[%min3A_86, %broadcast_in_dim3A_30] : memref<72x64xi32, #tpu.memory_space<vmem>>[vector<16xi32>, vector<16xi32>], vector<16xi32>,
      %gather3A_104 = tpu.vector_load_idx %arg6[%min3A_86, %broadcast_in_dim3A_30] : memref<72x64xf32, #tpu.memory_space<vmem>>[vector<16xi32>, vector<16xi32>], vector<16xf32>,
      %add3A_105 = arith.constant 72 : i32
      %add3A_106 = vector.broadcast %add3A_105 : i32 to vector<16xi32>
      %add3A_107 = arith.addi %add3A_106, %min3A_86 : vector<16xi32>
      tpu.vector_store_idx %arg7[%add3A_107, %gather3A_103], %gather3A_104 masked %and3A_102 {add = true} : memref<136x720xf32, #tpu.memory_space<vmem>>[vector<16xi32>, vector<16xi32>], vector<16xf32>, vector<16xi1>
      %add3A_108 = arith.constant 48 : i32
      %add3A_109 = vector.broadcast %add3A_108 : i32 to vector<16xi32>
      %add3A_110 = arith.addi %add3A_109, %iota3A : vector<16xi32>
      %min3A_111 = arith.constant 63 : i32
      %min3A_112 = vector.broadcast %min3A_111 : i32 to vector<16xi32>
      %min3A_113 = arith.minsi %add3A_110, %min3A_112 : vector<16xi32>
      %add3A_114 = arith.constant 48 : i32
      %add3A_115 = vector.broadcast %add3A_114 : i32 to vector<16xi32>
      %add3A_116 = arith.addi %add3A_115, %iota3A : vector<16xi32>
      %lt3A_117 = arith.constant 64 : i32
      %lt3A_118 = vector.broadcast %lt3A_117 : i32 to vector<16xi32>
      %lt3A_119 = arith.cmpi slt, %add3A_116, %lt3A_118 : vector<16xi32>
      %add3A_120 = arith.constant 72 : i32
      %add3A_121 = arith.addi %mul3A_2, %add3A_120 : i32
      %add3A_122 = arith.constant 48 : i32
      %add3A_123 = arith.addi %add3A_121, %add3A_122 : i32
      %add3A_124 = vector.broadcast %add3A_123 : i32 to vector<16xi32>
      %add3A_125 = arith.addi %add3A_124, %iota3A : vector<16xi32>
      %lt3A_126 = arith.constant 4320 : i32
      %lt3A_127 = vector.broadcast %lt3A_126 : i32 to vector<16xi32>
      %lt3A_128 = arith.cmpi slt, %add3A_125, %lt3A_127 : vector<16xi32>
      %and3A_129 = arith.andi %lt3A_119, %lt3A_128 : vector<16xi1>
      %gather3A_130 = tpu.vector_load_idx %arg5[%min3A_113, %broadcast_in_dim3A_30] : memref<72x64xi32, #tpu.memory_space<vmem>>[vector<16xi32>, vector<16xi32>], vector<16xi32>,
      %gather3A_131 = tpu.vector_load_idx %arg6[%min3A_113, %broadcast_in_dim3A_30] : memref<72x64xf32, #tpu.memory_space<vmem>>[vector<16xi32>, vector<16xi32>], vector<16xf32>,
      %add3A_132 = arith.constant 72 : i32
      %add3A_133 = vector.broadcast %add3A_132 : i32 to vector<16xi32>
      %add3A_134 = arith.addi %add3A_133, %min3A_113 : vector<16xi32>
      tpu.vector_store_idx %arg7[%add3A_134, %gather3A_130], %gather3A_131 masked %and3A_129 {add = true} : memref<136x720xf32, #tpu.memory_space<vmem>>[vector<16xi32>, vector<16xi32>], vector<16xf32>, vector<16xi1>
    }
    %scan3A_28 = arith.constant 64 : i32
    "tpu.region"() ({
      %run_scoped3A = tpu.sem_alloc : memref<!tpu.dma_semaphore, #tpu.memory_space<semaphore_mem>>
      %dma_start3A = arith.constant 0 : i32
      %dma_start3A_29 = tpu.memref_slice %arg4[%mul3A_2, %dma_start3A] : memref<4352x720xf32, #tpu.memory_space<hbm>> -> memref<136x720xf32, #tpu.memory_space<hbm>>
      %dma_start3A_30 = arith.constant 0 : i32
      %dma_start3A_31 = tpu.memref_slice %arg4[%mul3A_2, %dma_start3A_30] : memref<4352x720xf32, #tpu.memory_space<hbm>> -> memref<136x720xf32, #tpu.memory_space<hbm>>
      tpu.enqueue_dma source(%arg7 : memref<136x720xf32, #tpu.memory_space<vmem>>) target(%dma_start3A_31 : memref<136x720xf32, #tpu.memory_space<hbm>>) target_semaphore(%run_scoped3A : memref<!tpu.dma_semaphore, #tpu.memory_space<semaphore_mem>>)
      %dma_wait3A = arith.constant 0 : i32
      %dma_wait3A_32 = tpu.memref_slice %arg4[%mul3A_2, %dma_wait3A] : memref<4352x720xf32, #tpu.memory_space<hbm>> -> memref<136x720xf32, #tpu.memory_space<hbm>>
      %dma_wait3A_33 = arith.constant 0 : i32
      %dma_wait3A_34 = tpu.memref_slice %arg4[%mul3A_2, %dma_wait3A_33] : memref<4352x720xf32, #tpu.memory_space<hbm>> -> memref<136x720xf32, #tpu.memory_space<hbm>>
      tpu.wait_dma2 semaphore(%run_scoped3A : memref<!tpu.dma_semaphore, #tpu.memory_space<semaphore_mem>>) src(%arg7 : memref<136x720xf32, #tpu.memory_space<vmem>>) dst(%dma_wait3A_34 : memref<136x720xf32, #tpu.memory_space<hbm>>)
      tpu.yield
    }) : () -> ()
    return
  }
}

module attributes {stable_mosaic.version = 14 : i64} {
  func.func @_contract_body(%arg0: i32, %arg1: memref<1x720x128xf32, #tpu.memory_space<vmem>>, %arg2: memref<720x720xf32, #tpu.memory_space<vmem>>, %arg3: memref<128x720xf32, #tpu.memory_space<vmem>>) attributes {dimension_semantics = [#tpu.dimension_semantics<arbitrary>], iteration_bounds = array<i64: 6>, scalar_prefetch = 0 : i64, scratch_operands = 0 : i64, tpu.core_type = #tpu.core_type<tc>, window_params = [{transform_indices = @transform_0, window_bounds = array<i64: 1, 720, 128>}, {transform_indices = @transform_1, window_bounds = array<i64: 720, 720>}, {pipeline_mode = #tpu.pipeline_mode<synchronous>, transform_indices = @transform_2, window_bounds = array<i64: 128, 720>}]} {
    %get3A = arith.constant 0 : index
    %get3A_0 = arith.constant 0 : index
    %get3A_1 = arith.constant 0 : index
    %get3A_2 = vector.load %arg1[%get3A, %get3A_0, %get3A_1] : memref<1x720x128xf32, #tpu.memory_space<vmem>>, vector<1x720x128xf32>
    %get3A_3 = vector.shape_cast %get3A_2 : vector<1x720x128xf32> to vector<720x128xf32>
    %get3A_4 = arith.constant 0 : index
    %get3A_5 = arith.constant 0 : index
    %get3A_6 = vector.load %arg2[%get3A_4, %get3A_5] : memref<720x720xf32, #tpu.memory_space<vmem>>, vector<720x720xf32>
    %dot_general3A = arith.constant dense<0.000000e+00> : vector<128x720xf32>
    %dot_general3A_7 = tpu.matmul %get3A_3, %get3A_6, %dot_general3A {dimension_numbers = #tpu.dot_dimension_numbers<[0], [0], [1], [1], [0, 1, 1, 1], [], []>, precision = #tpu.contract_precision<fp32>, transpose_lhs_hint = false} : vector<720x128xf32>, vector<720x720xf32>, vector<128x720xf32> -> vector<128x720xf32>
    %eq3A = arith.constant 0 : i32
    %eq3A_8 = arith.cmpi eq, %arg0, %eq3A : i32
    %convert_element_type3A = arith.extui %eq3A_8 : i1 to i32
    %cond3A = arith.constant 0 : i32
    %cond3A_9 = arith.cmpi ne, %convert_element_type3A, %cond3A : i32
    scf.if %cond3A_9 {
      %swap3A = arith.constant 0 : index
      %swap3A_14 = arith.constant 0 : index
      %swap3A_15 = vector.load %arg3[%swap3A, %swap3A_14] : memref<128x720xf32, #tpu.memory_space<vmem>>, vector<128x720xf32>
      tpu.vector_store %arg3[%swap3A, %swap3A_14], %dot_general3A_7 {strides = array<i32>} : memref<128x720xf32, #tpu.memory_space<vmem>>, vector<128x720xf32>,
    } else {
    }
    %gt3A = arith.constant 0 : i32
    %gt3A_10 = arith.cmpi sgt, %arg0, %gt3A : i32
    %convert_element_type3A_11 = arith.extui %gt3A_10 : i1 to i32
    %cond3A_12 = arith.constant 0 : i32
    %cond3A_13 = arith.cmpi ne, %convert_element_type3A_11, %cond3A_12 : i32
    scf.if %cond3A_13 {
      %get3A_14 = arith.constant 0 : index
      %get3A_15 = arith.constant 0 : index
      %get3A_16 = vector.load %arg3[%get3A_14, %get3A_15] : memref<128x720xf32, #tpu.memory_space<vmem>>, vector<128x720xf32>
      %add3A = arith.addf %get3A_16, %dot_general3A_7 : vector<128x720xf32>
      %swap3A = arith.constant 0 : index
      %swap3A_17 = arith.constant 0 : index
      %swap3A_18 = vector.load %arg3[%swap3A, %swap3A_17] : memref<128x720xf32, #tpu.memory_space<vmem>>, vector<128x720xf32>
      tpu.vector_store %arg3[%swap3A, %swap3A_17], %add3A {strides = array<i32>} : memref<128x720xf32, #tpu.memory_space<vmem>>, vector<128x720xf32>,
    } else {
    }
    return
  }
  func.func @transform_0(%arg0: i32) -> (i32, i32, i32) {
    %c0_i32 = arith.constant 0 : i32
    %c0_i32_0 = arith.constant 0 : i32
    %c0_i32_1 = arith.constant 0 : i32
    return %arg0, %c0_i32, %c0_i32_0 : i32, i32, i32
  }
  func.func @transform_1(%arg0: i32) -> (i32, i32) {
    %c0_i32 = arith.constant 0 : i32
    %c0_i32_0 = arith.constant 0 : i32
    return %arg0, %c0_i32 : i32, i32
  }
  func.func @transform_2(%arg0: i32) -> (i32, i32) {
    %c0_i32 = arith.constant 0 : i32
    %c0_i32_0 = arith.constant 0 : i32
    %c0_i32_1 = arith.constant 0 : i32
    return %c0_i32, %c0_i32_0 : i32, i32
  }
}

module attributes {stable_mosaic.version = 14 : i64} {
  func.func @_lift_geom_body(%arg0: i32, %arg1: memref<6x37xf32, #tpu.memory_space<smem>>, %arg2: memref<1x720x256xf32, #tpu.memory_space<vmem>>, %arg3: memref<192x256xf32, #tpu.memory_space<vmem>>, %arg4: memref<1x192xf32, #tpu.memory_space<vmem>>, %arg5: memref<720x2xf32, #tpu.memory_space<vmem>>, %arg6: memref<1x64xf32, #tpu.memory_space<vmem>>, %arg7: memref<720x64xi32, #tpu.memory_space<vmem>>, %arg8: memref<720x64xf32, #tpu.memory_space<vmem>>, %arg9: memref<1x720x128xf32, #tpu.memory_space<vmem>>) attributes {dimension_semantics = [#tpu.dimension_semantics<arbitrary>], iteration_bounds = array<i64: 6>, scalar_prefetch = 0 : i64, scratch_operands = 0 : i64, tpu.core_type = #tpu.core_type<tc>, window_params = [{transform_indices = @transform_0, window_bounds = array<i64: 6, 37>}, {transform_indices = @transform_1, window_bounds = array<i64: 1, 720, 256>}, {pipeline_mode = #tpu.pipeline_mode<synchronous>, transform_indices = @transform_2, window_bounds = array<i64: 192, 256>}, {pipeline_mode = #tpu.pipeline_mode<synchronous>, transform_indices = @transform_3, window_bounds = array<i64: 1, 192>}, {pipeline_mode = #tpu.pipeline_mode<synchronous>, transform_indices = @transform_4, window_bounds = array<i64: 720, 2>}, {pipeline_mode = #tpu.pipeline_mode<synchronous>, transform_indices = @transform_5, window_bounds = array<i64: 1, 64>}, {transform_indices = @transform_6, window_bounds = array<i64: 720, 64>}, {transform_indices = @transform_7, window_bounds = array<i64: 720, 64>}, {transform_indices = @transform_8, window_bounds = array<i64: 1, 720, 128>}]} {
    %get3A = arith.constant 0 : index
    %get3A_0 = arith.constant 0 : index
    %get3A_1 = arith.constant 0 : index
    %get3A_2 = vector.load %arg2[%get3A, %get3A_0, %get3A_1] : memref<1x720x256xf32, #tpu.memory_space<vmem>>, vector<1x720x256xf32>
    %get3A_3 = vector.shape_cast %get3A_2 : vector<1x720x256xf32> to vector<720x256xf32>
    %get3A_4 = arith.constant 0 : index
    %get3A_5 = arith.constant 0 : index
    %get3A_6 = vector.load %arg3[%get3A_4, %get3A_5] : memref<192x256xf32, #tpu.memory_space<vmem>>, vector<192x256xf32>
    %dot_general3A = arith.constant dense<0.000000e+00> : vector<720x192xf32>
    %dot_general3A_7 = tpu.matmul %get3A_3, %get3A_6, %dot_general3A {dimension_numbers = #tpu.dot_dimension_numbers<[1], [1], [0], [0], [0, 0, 1, 0], [], []>, precision = #tpu.contract_precision<fp32>, transpose_lhs_hint = false} : vector<720x256xf32>, vector<192x256xf32>, vector<720x192xf32> -> vector<720x192xf32>
    %get3A_8 = arith.constant 0 : index
    %get3A_9 = arith.constant 0 : index
    %get3A_10 = vector.load %arg4[%get3A_8, %get3A_9] : memref<1x192xf32, #tpu.memory_space<vmem>>, vector<1x192xf32>
    %add3A = vector.broadcast %get3A_10 : vector<1x192xf32> to vector<720x192xf32>
    %add3A_11 = arith.addf %dot_general3A_7, %add3A : vector<720x192xf32>
    %slice3A = vector.extract_strided_slice %add3A_11 {offsets = [0, 0], sizes = [720, 64], strides = [1, 1]} : vector<720x192xf32> to vector<720x64xf32>
    %reduce_max3A = arith.constant dense<0xFF800000> : vector<720xf32>
    %reduce_max3A_12 = vector.multi_reduction <maximumf>, %slice3A, %reduce_max3A [1] : vector<720x64xf32> to vector<720xf32>
    %broadcast_in_dim3A = vector.shape_cast %reduce_max3A_12 : vector<720xf32> to vector<720x1xf32>
    %sub3A = vector.broadcast %broadcast_in_dim3A : vector<720x1xf32> to vector<720x64xf32>
    %sub3A_13 = arith.subf %slice3A, %sub3A : vector<720x64xf32>
    %exp3A = math.exp %sub3A_13 : vector<720x64xf32>
    %reduce_sum3A = arith.constant dense<0.000000e+00> : vector<720xf32>
    %reduce_sum3A_14 = vector.multi_reduction <add>, %exp3A, %reduce_sum3A [1] : vector<720x64xf32> to vector<720xf32>
    %broadcast_in_dim3A_15 = vector.shape_cast %reduce_sum3A_14 : vector<720xf32> to vector<720x1xf32>
    %div3A = arith.constant 1.000000e+00 : f32
    %div3A_16 = vector.broadcast %div3A : f32 to vector<720x1xf32>
    %div3A_17 = arith.divf %div3A_16, %broadcast_in_dim3A_15 : vector<720x1xf32>
    %mul3A = arith.mulf %broadcast_in_dim3A_15, %div3A_17 : vector<720x1xf32>
    %sub3A_18 = arith.constant 2.000000e+00 : f32
    %sub3A_19 = vector.broadcast %sub3A_18 : f32 to vector<720x1xf32>
    %sub3A_20 = arith.subf %sub3A_19, %mul3A : vector<720x1xf32>
    %mul3A_21 = arith.mulf %div3A_17, %sub3A_20 : vector<720x1xf32>
    %mul3A_22 = vector.broadcast %mul3A_21 : vector<720x1xf32> to vector<720x64xf32>
    %mul3A_23 = arith.mulf %exp3A, %mul3A_22 : vector<720x64xf32>
    %mul3A_24 = vector.broadcast %broadcast_in_dim3A_15 : vector<720x1xf32> to vector<720x64xf32>
    %mul3A_25 = arith.mulf %mul3A_24, %mul3A_23 : vector<720x64xf32>
    %sub3A_26 = arith.subf %exp3A, %mul3A_25 : vector<720x64xf32>
    %mul3A_27 = vector.broadcast %mul3A_21 : vector<720x1xf32> to vector<720x64xf32>
    %mul3A_28 = arith.mulf %mul3A_27, %sub3A_26 : vector<720x64xf32>
    %add3A_29 = arith.addf %mul3A_23, %mul3A_28 : vector<720x64xf32>
    %slice3A_30 = vector.extract_strided_slice %add3A_11 {offsets = [0, 64], sizes = [720, 128], strides = [1, 1]} : vector<720x192xf32> to vector<720x128xf32>
    %get3A_31 = arith.constant 0 : index
    %get3A_32 = arith.constant 0 : index
    %get3A_33 = vector.load %arg5[%get3A_31, %get3A_32] : memref<720x2xf32, #tpu.memory_space<vmem>>, vector<720x1xf32>
    %get3A_34 = arith.constant 0 : index
    %get3A_35 = arith.constant 1 : index
    %get3A_36 = vector.load %arg5[%get3A_34, %get3A_35] : memref<720x2xf32, #tpu.memory_space<vmem>>, vector<720x1xf32>
    %get3A_37 = arith.constant 0 : index
    %get3A_38 = arith.constant 0 : index
    %get3A_39 = vector.load %arg6[%get3A_37, %get3A_38] : memref<1x64xf32, #tpu.memory_space<vmem>>, vector<1x64xf32>
    %mul3A_40 = vector.broadcast %get3A_33 : vector<720x1xf32> to vector<720x64xf32>
    %mul3A_41 = vector.broadcast %get3A_39 : vector<1x64xf32> to vector<720x64xf32>
    %mul3A_42 = arith.mulf %mul3A_40, %mul3A_41 : vector<720x64xf32>
    %convert_element_type3A = arith.truncf %mul3A_42 : vector<720x64xf32> to vector<720x64xbf16>
    %convert_element_type3A_43 = arith.extf %convert_element_type3A : vector<720x64xbf16> to vector<720x64xf32>
    %mul3A_44 = vector.broadcast %get3A_36 : vector<720x1xf32> to vector<720x64xf32>
    %mul3A_45 = vector.broadcast %get3A_39 : vector<1x64xf32> to vector<720x64xf32>
    %mul3A_46 = arith.mulf %mul3A_44, %mul3A_45 : vector<720x64xf32>
    %convert_element_type3A_47 = arith.truncf %mul3A_46 : vector<720x64xf32> to vector<720x64xbf16>
    %convert_element_type3A_48 = arith.extf %convert_element_type3A_47 : vector<720x64xbf16> to vector<720x64xf32>
    %broadcast_in_dim3A_49 = vector.shape_cast %get3A_39 : vector<1x64xf32> to vector<1x64xf32>
    %broadcast_in_dim3A_50 = vector.broadcast %broadcast_in_dim3A_49 : vector<1x64xf32> to vector<720x64xf32>
    %convert_element_type3A_51 = arith.truncf %broadcast_in_dim3A_50 : vector<720x64xf32> to vector<720x64xbf16>
    %convert_element_type3A_52 = arith.extf %convert_element_type3A_51 : vector<720x64xbf16> to vector<720x64xf32>
    %get3A_53 = arith.index_cast %arg0 : i32 to index
    %get3A_54 = arith.constant 0 : index
    %get3A_55 = memref.load %arg1[%get3A_53, %get3A_54] : memref<6x37xf32, #tpu.memory_space<smem>>
    %mul3A_56 = vector.broadcast %get3A_55 : f32 to vector<720x64xf32>
    %mul3A_57 = arith.mulf %mul3A_56, %convert_element_type3A_43 : vector<720x64xf32>
    %get3A_58 = arith.index_cast %arg0 : i32 to index
    %get3A_59 = arith.constant 1 : index
    %get3A_60 = memref.load %arg1[%get3A_58, %get3A_59] : memref<6x37xf32, #tpu.memory_space<smem>>
    %mul3A_61 = vector.broadcast %get3A_60 : f32 to vector<720x64xf32>
    %mul3A_62 = arith.mulf %mul3A_61, %convert_element_type3A_48 : vector<720x64xf32>
    %add3A_63 = arith.addf %mul3A_57, %mul3A_62 : vector<720x64xf32>
    %get3A_64 = arith.index_cast %arg0 : i32 to index
    %get3A_65 = arith.constant 2 : index
    %get3A_66 = memref.load %arg1[%get3A_64, %get3A_65] : memref<6x37xf32, #tpu.memory_space<smem>>
    %mul3A_67 = vector.broadcast %get3A_66 : f32 to vector<720x64xf32>
    %mul3A_68 = arith.mulf %mul3A_67, %convert_element_type3A_52 : vector<720x64xf32>
    %add3A_69 = arith.addf %add3A_63, %mul3A_68 : vector<720x64xf32>
    %get3A_70 = arith.index_cast %arg0 : i32 to index
    %get3A_71 = arith.constant 3 : index
    %get3A_72 = memref.load %arg1[%get3A_70, %get3A_71] : memref<6x37xf32, #tpu.memory_space<smem>>
    %mul3A_73 = vector.broadcast %get3A_72 : f32 to vector<720x64xf32>
    %mul3A_74 = arith.mulf %mul3A_73, %convert_element_type3A_43 : vector<720x64xf32>
    %get3A_75 = arith.index_cast %arg0 : i32 to index
    %get3A_76 = arith.constant 4 : index
    %get3A_77 = memref.load %arg1[%get3A_75, %get3A_76] : memref<6x37xf32, #tpu.memory_space<smem>>
    %mul3A_78 = vector.broadcast %get3A_77 : f32 to vector<720x64xf32>
    %mul3A_79 = arith.mulf %mul3A_78, %convert_element_type3A_48 : vector<720x64xf32>
    %add3A_80 = arith.addf %mul3A_74, %mul3A_79 : vector<720x64xf32>
    %get3A_81 = arith.index_cast %arg0 : i32 to index
    %get3A_82 = arith.constant 5 : index
    %get3A_83 = memref.load %arg1[%get3A_81, %get3A_82] : memref<6x37xf32, #tpu.memory_space<smem>>
    %mul3A_84 = vector.broadcast %get3A_83 : f32 to vector<720x64xf32>
    %mul3A_85 = arith.mulf %mul3A_84, %convert_element_type3A_52 : vector<720x64xf32>
    %add3A_86 = arith.addf %add3A_80, %mul3A_85 : vector<720x64xf32>
    %get3A_87 = arith.index_cast %arg0 : i32 to index
    %get3A_88 = arith.constant 6 : index
    %get3A_89 = memref.load %arg1[%get3A_87, %get3A_88] : memref<6x37xf32, #tpu.memory_space<smem>>
    %mul3A_90 = vector.broadcast %get3A_89 : f32 to vector<720x64xf32>
    %mul3A_91 = arith.mulf %mul3A_90, %convert_element_type3A_43 : vector<720x64xf32>
    %get3A_92 = arith.index_cast %arg0 : i32 to index
    %get3A_93 = arith.constant 7 : index
    %get3A_94 = memref.load %arg1[%get3A_92, %get3A_93] : memref<6x37xf32, #tpu.memory_space<smem>>
    %mul3A_95 = vector.broadcast %get3A_94 : f32 to vector<720x64xf32>
    %mul3A_96 = arith.mulf %mul3A_95, %convert_element_type3A_48 : vector<720x64xf32>
    %add3A_97 = arith.addf %mul3A_91, %mul3A_96 : vector<720x64xf32>
    %get3A_98 = arith.index_cast %arg0 : i32 to index
    %get3A_99 = arith.constant 8 : index
    %get3A_100 = memref.load %arg1[%get3A_98, %get3A_99] : memref<6x37xf32, #tpu.memory_space<smem>>
    %mul3A_101 = vector.broadcast %get3A_100 : f32 to vector<720x64xf32>
    %mul3A_102 = arith.mulf %mul3A_101, %convert_element_type3A_52 : vector<720x64xf32>
    %add3A_103 = arith.addf %add3A_97, %mul3A_102 : vector<720x64xf32>
    %convert_element_type3A_104 = arith.truncf %add3A_69 : vector<720x64xf32> to vector<720x64xbf16>
    %convert_element_type3A_105 = arith.extf %convert_element_type3A_104 : vector<720x64xbf16> to vector<720x64xf32>
    %convert_element_type3A_106 = arith.truncf %add3A_86 : vector<720x64xf32> to vector<720x64xbf16>
    %convert_element_type3A_107 = arith.extf %convert_element_type3A_106 : vector<720x64xbf16> to vector<720x64xf32>
    %convert_element_type3A_108 = arith.truncf %add3A_103 : vector<720x64xf32> to vector<720x64xbf16>
    %convert_element_type3A_109 = arith.extf %convert_element_type3A_108 : vector<720x64xbf16> to vector<720x64xf32>
    %get3A_110 = arith.index_cast %arg0 : i32 to index
    %get3A_111 = arith.constant 9 : index
    %get3A_112 = memref.load %arg1[%get3A_110, %get3A_111] : memref<6x37xf32, #tpu.memory_space<smem>>
    %mul3A_113 = vector.broadcast %get3A_112 : f32 to vector<720x64xf32>
    %mul3A_114 = arith.mulf %mul3A_113, %convert_element_type3A_105 : vector<720x64xf32>
    %get3A_115 = arith.index_cast %arg0 : i32 to index
    %get3A_116 = arith.constant 10 : index
    %get3A_117 = memref.load %arg1[%get3A_115, %get3A_116] : memref<6x37xf32, #tpu.memory_space<smem>>
    %mul3A_118 = vector.broadcast %get3A_117 : f32 to vector<720x64xf32>
    %mul3A_119 = arith.mulf %mul3A_118, %convert_element_type3A_107 : vector<720x64xf32>
    %add3A_120 = arith.addf %mul3A_114, %mul3A_119 : vector<720x64xf32>
    %get3A_121 = arith.index_cast %arg0 : i32 to index
    %get3A_122 = arith.constant 11 : index
    %get3A_123 = memref.load %arg1[%get3A_121, %get3A_122] : memref<6x37xf32, #tpu.memory_space<smem>>
    %mul3A_124 = vector.broadcast %get3A_123 : f32 to vector<720x64xf32>
    %mul3A_125 = arith.mulf %mul3A_124, %convert_element_type3A_109 : vector<720x64xf32>
    %add3A_126 = arith.addf %add3A_120, %mul3A_125 : vector<720x64xf32>
    %get3A_127 = arith.index_cast %arg0 : i32 to index
    %get3A_128 = arith.constant 18 : index
    %get3A_129 = memref.load %arg1[%get3A_127, %get3A_128] : memref<6x37xf32, #tpu.memory_space<smem>>
    %add3A_130 = vector.broadcast %get3A_129 : f32 to vector<720x64xf32>
    %add3A_131 = arith.addf %add3A_126, %add3A_130 : vector<720x64xf32>
    %get3A_132 = arith.index_cast %arg0 : i32 to index
    %get3A_133 = arith.constant 12 : index
    %get3A_134 = memref.load %arg1[%get3A_132, %get3A_133] : memref<6x37xf32, #tpu.memory_space<smem>>
    %mul3A_135 = vector.broadcast %get3A_134 : f32 to vector<720x64xf32>
    %mul3A_136 = arith.mulf %mul3A_135, %convert_element_type3A_105 : vector<720x64xf32>
    %get3A_137 = arith.index_cast %arg0 : i32 to index
    %get3A_138 = arith.constant 13 : index
    %get3A_139 = memref.load %arg1[%get3A_137, %get3A_138] : memref<6x37xf32, #tpu.memory_space<smem>>
    %mul3A_140 = vector.broadcast %get3A_139 : f32 to vector<720x64xf32>
    %mul3A_141 = arith.mulf %mul3A_140, %convert_element_type3A_107 : vector<720x64xf32>
    %add3A_142 = arith.addf %mul3A_136, %mul3A_141 : vector<720x64xf32>
    %get3A_143 = arith.index_cast %arg0 : i32 to index
    %get3A_144 = arith.constant 14 : index
    %get3A_145 = memref.load %arg1[%get3A_143, %get3A_144] : memref<6x37xf32, #tpu.memory_space<smem>>
    %mul3A_146 = vector.broadcast %get3A_145 : f32 to vector<720x64xf32>
    %mul3A_147 = arith.mulf %mul3A_146, %convert_element_type3A_109 : vector<720x64xf32>
    %add3A_148 = arith.addf %add3A_142, %mul3A_147 : vector<720x64xf32>
    %get3A_149 = arith.index_cast %arg0 : i32 to index
    %get3A_150 = arith.constant 19 : index
    %get3A_151 = memref.load %arg1[%get3A_149, %get3A_150] : memref<6x37xf32, #tpu.memory_space<smem>>
    %add3A_152 = vector.broadcast %get3A_151 : f32 to vector<720x64xf32>
    %add3A_153 = arith.addf %add3A_148, %add3A_152 : vector<720x64xf32>
    %get3A_154 = arith.index_cast %arg0 : i32 to index
    %get3A_155 = arith.constant 15 : index
    %get3A_156 = memref.load %arg1[%get3A_154, %get3A_155] : memref<6x37xf32, #tpu.memory_space<smem>>
    %mul3A_157 = vector.broadcast %get3A_156 : f32 to vector<720x64xf32>
    %mul3A_158 = arith.mulf %mul3A_157, %convert_element_type3A_105 : vector<720x64xf32>
    %get3A_159 = arith.index_cast %arg0 : i32 to index
    %get3A_160 = arith.constant 16 : index
    %get3A_161 = memref.load %arg1[%get3A_159, %get3A_160] : memref<6x37xf32, #tpu.memory_space<smem>>
    %mul3A_162 = vector.broadcast %get3A_161 : f32 to vector<720x64xf32>
    %mul3A_163 = arith.mulf %mul3A_162, %convert_element_type3A_107 : vector<720x64xf32>
    %add3A_164 = arith.addf %mul3A_158, %mul3A_163 : vector<720x64xf32>
    %get3A_165 = arith.index_cast %arg0 : i32 to index
    %get3A_166 = arith.constant 17 : index
    %get3A_167 = memref.load %arg1[%get3A_165, %get3A_166] : memref<6x37xf32, #tpu.memory_space<smem>>
    %mul3A_168 = vector.broadcast %get3A_167 : f32 to vector<720x64xf32>
    %mul3A_169 = arith.mulf %mul3A_168, %convert_element_type3A_109 : vector<720x64xf32>
    %add3A_170 = arith.addf %add3A_164, %mul3A_169 : vector<720x64xf32>
    %get3A_171 = arith.index_cast %arg0 : i32 to index
    %get3A_172 = arith.constant 20 : index
    %get3A_173 = memref.load %arg1[%get3A_171, %get3A_172] : memref<6x37xf32, #tpu.memory_space<smem>>
    %add3A_174 = vector.broadcast %get3A_173 : f32 to vector<720x64xf32>
    %add3A_175 = arith.addf %add3A_170, %add3A_174 : vector<720x64xf32>
    %convert_element_type3A_176 = arith.truncf %add3A_131 : vector<720x64xf32> to vector<720x64xbf16>
    %convert_element_type3A_177 = arith.extf %convert_element_type3A_176 : vector<720x64xbf16> to vector<720x64xf32>
    %convert_element_type3A_178 = arith.truncf %add3A_153 : vector<720x64xf32> to vector<720x64xbf16>
    %convert_element_type3A_179 = arith.extf %convert_element_type3A_178 : vector<720x64xbf16> to vector<720x64xf32>
    %convert_element_type3A_180 = arith.truncf %add3A_175 : vector<720x64xf32> to vector<720x64xbf16>
    %convert_element_type3A_181 = arith.extf %convert_element_type3A_180 : vector<720x64xbf16> to vector<720x64xf32>
    %get3A_182 = arith.index_cast %arg0 : i32 to index
    %get3A_183 = arith.constant 21 : index
    %get3A_184 = memref.load %arg1[%get3A_182, %get3A_183] : memref<6x37xf32, #tpu.memory_space<smem>>
    %mul3A_185 = vector.broadcast %get3A_184 : f32 to vector<720x64xf32>
    %mul3A_186 = arith.mulf %mul3A_185, %convert_element_type3A_177 : vector<720x64xf32>
    %get3A_187 = arith.index_cast %arg0 : i32 to index
    %get3A_188 = arith.constant 22 : index
    %get3A_189 = memref.load %arg1[%get3A_187, %get3A_188] : memref<6x37xf32, #tpu.memory_space<smem>>
    %mul3A_190 = vector.broadcast %get3A_189 : f32 to vector<720x64xf32>
    %mul3A_191 = arith.mulf %mul3A_190, %convert_element_type3A_179 : vector<720x64xf32>
    %add3A_192 = arith.addf %mul3A_186, %mul3A_191 : vector<720x64xf32>
    %get3A_193 = arith.index_cast %arg0 : i32 to index
    %get3A_194 = arith.constant 23 : index
    %get3A_195 = memref.load %arg1[%get3A_193, %get3A_194] : memref<6x37xf32, #tpu.memory_space<smem>>
    %mul3A_196 = vector.broadcast %get3A_195 : f32 to vector<720x64xf32>
    %mul3A_197 = arith.mulf %mul3A_196, %convert_element_type3A_181 : vector<720x64xf32>
    %add3A_198 = arith.addf %add3A_192, %mul3A_197 : vector<720x64xf32>
    %get3A_199 = arith.index_cast %arg0 : i32 to index
    %get3A_200 = arith.constant 30 : index
    %get3A_201 = memref.load %arg1[%get3A_199, %get3A_200] : memref<6x37xf32, #tpu.memory_space<smem>>
    %add3A_202 = vector.broadcast %get3A_201 : f32 to vector<720x64xf32>
    %add3A_203 = arith.addf %add3A_198, %add3A_202 : vector<720x64xf32>
    %get3A_204 = arith.index_cast %arg0 : i32 to index
    %get3A_205 = arith.constant 24 : index
    %get3A_206 = memref.load %arg1[%get3A_204, %get3A_205] : memref<6x37xf32, #tpu.memory_space<smem>>
    %mul3A_207 = vector.broadcast %get3A_206 : f32 to vector<720x64xf32>
    %mul3A_208 = arith.mulf %mul3A_207, %convert_element_type3A_177 : vector<720x64xf32>
    %get3A_209 = arith.index_cast %arg0 : i32 to index
    %get3A_210 = arith.constant 25 : index
    %get3A_211 = memref.load %arg1[%get3A_209, %get3A_210] : memref<6x37xf32, #tpu.memory_space<smem>>
    %mul3A_212 = vector.broadcast %get3A_211 : f32 to vector<720x64xf32>
    %mul3A_213 = arith.mulf %mul3A_212, %convert_element_type3A_179 : vector<720x64xf32>
    %add3A_214 = arith.addf %mul3A_208, %mul3A_213 : vector<720x64xf32>
    %get3A_215 = arith.index_cast %arg0 : i32 to index
    %get3A_216 = arith.constant 26 : index
    %get3A_217 = memref.load %arg1[%get3A_215, %get3A_216] : memref<6x37xf32, #tpu.memory_space<smem>>
    %mul3A_218 = vector.broadcast %get3A_217 : f32 to vector<720x64xf32>
    %mul3A_219 = arith.mulf %mul3A_218, %convert_element_type3A_181 : vector<720x64xf32>
    %add3A_220 = arith.addf %add3A_214, %mul3A_219 : vector<720x64xf32>
    %get3A_221 = arith.index_cast %arg0 : i32 to index
    %get3A_222 = arith.constant 31 : index
    %get3A_223 = memref.load %arg1[%get3A_221, %get3A_222] : memref<6x37xf32, #tpu.memory_space<smem>>
    %add3A_224 = vector.broadcast %get3A_223 : f32 to vector<720x64xf32>
    %add3A_225 = arith.addf %add3A_220, %add3A_224 : vector<720x64xf32>
    %get3A_226 = arith.index_cast %arg0 : i32 to index
    %get3A_227 = arith.constant 27 : index
    %get3A_228 = memref.load %arg1[%get3A_226, %get3A_227] : memref<6x37xf32, #tpu.memory_space<smem>>
    %mul3A_229 = vector.broadcast %get3A_228 : f32 to vector<720x64xf32>
    %mul3A_230 = arith.mulf %mul3A_229, %convert_element_type3A_177 : vector<720x64xf32>
    %get3A_231 = arith.index_cast %arg0 : i32 to index
    %get3A_232 = arith.constant 28 : index
    %get3A_233 = memref.load %arg1[%get3A_231, %get3A_232] : memref<6x37xf32, #tpu.memory_space<smem>>
    %mul3A_234 = vector.broadcast %get3A_233 : f32 to vector<720x64xf32>
    %mul3A_235 = arith.mulf %mul3A_234, %convert_element_type3A_179 : vector<720x64xf32>
    %add3A_236 = arith.addf %mul3A_230, %mul3A_235 : vector<720x64xf32>
    %get3A_237 = arith.index_cast %arg0 : i32 to index
    %get3A_238 = arith.constant 29 : index
    %get3A_239 = memref.load %arg1[%get3A_237, %get3A_238] : memref<6x37xf32, #tpu.memory_space<smem>>
    %mul3A_240 = vector.broadcast %get3A_239 : f32 to vector<720x64xf32>
    %mul3A_241 = arith.mulf %mul3A_240, %convert_element_type3A_181 : vector<720x64xf32>
    %add3A_242 = arith.addf %add3A_236, %mul3A_241 : vector<720x64xf32>
    %get3A_243 = arith.index_cast %arg0 : i32 to index
    %get3A_244 = arith.constant 32 : index
    %get3A_245 = memref.load %arg1[%get3A_243, %get3A_244] : memref<6x37xf32, #tpu.memory_space<smem>>
    %add3A_246 = vector.broadcast %get3A_245 : f32 to vector<720x64xf32>
    %add3A_247 = arith.addf %add3A_242, %add3A_246 : vector<720x64xf32>
    %max3A = arith.constant 1.000000e-01 : f32
    %max3A_248 = vector.broadcast %max3A : f32 to vector<720x64xf32>
    %max3A_249 = arith.maximumf %add3A_247, %max3A_248 : vector<720x64xf32>
    %get3A_250 = arith.index_cast %arg0 : i32 to index
    %get3A_251 = arith.constant 33 : index
    %get3A_252 = memref.load %arg1[%get3A_250, %get3A_251] : memref<6x37xf32, #tpu.memory_space<smem>>
    %mul3A_253 = vector.broadcast %get3A_252 : f32 to vector<720x64xf32>
    %mul3A_254 = arith.mulf %mul3A_253, %add3A_203 : vector<720x64xf32>
    %div3A_255 = arith.constant 1.000000e+00 : f32
    %div3A_256 = vector.broadcast %div3A_255 : f32 to vector<720x64xf32>
    %div3A_257 = arith.divf %div3A_256, %max3A_249 : vector<720x64xf32>
    %mul3A_258 = arith.mulf %max3A_249, %div3A_257 : vector<720x64xf32>
    %sub3A_259 = arith.constant 2.000000e+00 : f32
    %sub3A_260 = vector.broadcast %sub3A_259 : f32 to vector<720x64xf32>
    %sub3A_261 = arith.subf %sub3A_260, %mul3A_258 : vector<720x64xf32>
    %mul3A_262 = arith.mulf %div3A_257, %sub3A_261 : vector<720x64xf32>
    %mul3A_263 = arith.mulf %mul3A_254, %mul3A_262 : vector<720x64xf32>
    %mul3A_264 = arith.mulf %max3A_249, %mul3A_263 : vector<720x64xf32>
    %sub3A_265 = arith.subf %mul3A_254, %mul3A_264 : vector<720x64xf32>
    %mul3A_266 = arith.mulf %mul3A_262, %sub3A_265 : vector<720x64xf32>
    %add3A_267 = arith.addf %mul3A_263, %mul3A_266 : vector<720x64xf32>
    %get3A_268 = arith.index_cast %arg0 : i32 to index
    %get3A_269 = arith.constant 35 : index
    %get3A_270 = memref.load %arg1[%get3A_268, %get3A_269] : memref<6x37xf32, #tpu.memory_space<smem>>
    %add3A_271 = vector.broadcast %get3A_270 : f32 to vector<720x64xf32>
    %add3A_272 = arith.addf %add3A_267, %add3A_271 : vector<720x64xf32>
    %get3A_273 = arith.index_cast %arg0 : i32 to index
    %get3A_274 = arith.constant 34 : index
    %get3A_275 = memref.load %arg1[%get3A_273, %get3A_274] : memref<6x37xf32, #tpu.memory_space<smem>>
    %mul3A_276 = vector.broadcast %get3A_275 : f32 to vector<720x64xf32>
    %mul3A_277 = arith.mulf %mul3A_276, %add3A_225 : vector<720x64xf32>
    %div3A_278 = arith.constant 1.000000e+00 : f32
    %div3A_279 = vector.broadcast %div3A_278 : f32 to vector<720x64xf32>
    %div3A_280 = arith.divf %div3A_279, %max3A_249 : vector<720x64xf32>
    %mul3A_281 = arith.mulf %max3A_249, %div3A_280 : vector<720x64xf32>
    %sub3A_282 = arith.constant 2.000000e+00 : f32
    %sub3A_283 = vector.broadcast %sub3A_282 : f32 to vector<720x64xf32>
    %sub3A_284 = arith.subf %sub3A_283, %mul3A_281 : vector<720x64xf32>
    %mul3A_285 = arith.mulf %div3A_280, %sub3A_284 : vector<720x64xf32>
    %mul3A_286 = arith.mulf %mul3A_277, %mul3A_285 : vector<720x64xf32>
    %mul3A_287 = arith.mulf %max3A_249, %mul3A_286 : vector<720x64xf32>
    %sub3A_288 = arith.subf %mul3A_277, %mul3A_287 : vector<720x64xf32>
    %mul3A_289 = arith.mulf %mul3A_285, %sub3A_288 : vector<720x64xf32>
    %add3A_290 = arith.addf %mul3A_286, %mul3A_289 : vector<720x64xf32>
    %get3A_291 = arith.index_cast %arg0 : i32 to index
    %get3A_292 = arith.constant 36 : index
    %get3A_293 = memref.load %arg1[%get3A_291, %get3A_292] : memref<6x37xf32, #tpu.memory_space<smem>>
    %add3A_294 = vector.broadcast %get3A_293 : f32 to vector<720x64xf32>
    %add3A_295 = arith.addf %add3A_290, %add3A_294 : vector<720x64xf32>
    %mul3A_296 = arith.constant 6.250000e-02 : f32
    %mul3A_297 = vector.broadcast %mul3A_296 : f32 to vector<720x64xf32>
    %mul3A_298 = arith.mulf %add3A_272, %mul3A_297 : vector<720x64xf32>
    %convert_element_type3A_299 = arith.fptosi %mul3A_298 : vector<720x64xf32> to vector<720x64xi32>
    %mul3A_300 = arith.constant 6.250000e-02 : f32
    %mul3A_301 = vector.broadcast %mul3A_300 : f32 to vector<720x64xf32>
    %mul3A_302 = arith.mulf %add3A_295, %mul3A_301 : vector<720x64xf32>
    %convert_element_type3A_303 = arith.fptosi %mul3A_302 : vector<720x64xf32> to vector<720x64xi32>
    %gt3A = arith.constant 1.000000e-01 : f32
    %gt3A_304 = vector.broadcast %gt3A : f32 to vector<720x64xf32>
    %gt3A_305 = arith.cmpf ogt, %add3A_247, %gt3A_304 : vector<720x64xf32>
    %ge3A = arith.constant 0 : i32
    %ge3A_306 = vector.broadcast %ge3A : i32 to vector<720x64xi32>
    %ge3A_307 = arith.cmpi sge, %convert_element_type3A_299, %ge3A_306 : vector<720x64xi32>
    %and3A = arith.andi %gt3A_305, %ge3A_307 : vector<720x64xi1>
    %lt3A = arith.constant 36 : i32
    %lt3A_308 = vector.broadcast %lt3A : i32 to vector<720x64xi32>
    %lt3A_309 = arith.cmpi slt, %convert_element_type3A_299, %lt3A_308 : vector<720x64xi32>
    %and3A_310 = arith.andi %and3A, %lt3A_309 : vector<720x64xi1>
    %ge3A_311 = arith.constant 0 : i32
    %ge3A_312 = vector.broadcast %ge3A_311 : i32 to vector<720x64xi32>
    %ge3A_313 = arith.cmpi sge, %convert_element_type3A_303, %ge3A_312 : vector<720x64xi32>
    %and3A_314 = arith.andi %and3A_310, %ge3A_313 : vector<720x64xi1>
    %lt3A_315 = arith.constant 20 : i32
    %lt3A_316 = vector.broadcast %lt3A_315 : i32 to vector<720x64xi32>
    %lt3A_317 = arith.cmpi slt, %convert_element_type3A_303, %lt3A_316 : vector<720x64xi32>
    %and3A_318 = arith.andi %and3A_314, %lt3A_317 : vector<720x64xi1>
    %mul3A_319 = arith.constant 36 : i32
    %mul3A_320 = vector.broadcast %mul3A_319 : i32 to vector<720x64xi32>
    %mul3A_321 = arith.muli %convert_element_type3A_303, %mul3A_320 : vector<720x64xi32>
    %add3A_322 = arith.addi %mul3A_321, %convert_element_type3A_299 : vector<720x64xi32>
    %jit3A = arith.constant 0 : i32
    %broadcast_in_dim3A_323 = vector.broadcast %jit3A : i32 to vector<720x64xi32>
    %select_n3A = arith.select %and3A_318, %add3A_322, %broadcast_in_dim3A_323 : vector<720x64xi1>, vector<720x64xi32>
    %jit3A_324 = arith.constant 0.000000e+00 : f32
    %broadcast_in_dim3A_325 = vector.broadcast %jit3A_324 : f32 to vector<720x64xf32>
    %select_n3A_326 = arith.select %and3A_318, %add3A_29, %broadcast_in_dim3A_325 : vector<720x64xi1>, vector<720x64xf32>
    %swap3A = arith.constant 0 : index
    %swap3A_327 = arith.constant 0 : index
    %swap3A_328 = vector.load %arg7[%swap3A, %swap3A_327] : memref<720x64xi32, #tpu.memory_space<vmem>>, vector<720x64xi32>
    tpu.vector_store %arg7[%swap3A, %swap3A_327], %select_n3A {strides = array<i32>} : memref<720x64xi32, #tpu.memory_space<vmem>>, vector<720x64xi32>,
    %swap3A_329 = arith.constant 0 : index
    %swap3A_330 = arith.constant 0 : index
    %swap3A_331 = vector.load %arg8[%swap3A_329, %swap3A_330] : memref<720x64xf32, #tpu.memory_space<vmem>>, vector<720x64xf32>
    tpu.vector_store %arg8[%swap3A_329, %swap3A_330], %select_n3A_326 {strides = array<i32>} : memref<720x64xf32, #tpu.memory_space<vmem>>, vector<720x64xf32>,
    %swap3A_332 = arith.constant 0 : index
    %swap3A_333 = arith.constant 0 : index
    %swap3A_334 = arith.constant 0 : index
    %swap3A_335 = vector.load %arg9[%swap3A_332, %swap3A_333, %swap3A_334] : memref<1x720x128xf32, #tpu.memory_space<vmem>>, vector<1x720x128xf32>
    %swap3A_336 = vector.shape_cast %swap3A_335 : vector<1x720x128xf32> to vector<720x128xf32>
    %swap3A_337 = vector.shape_cast %slice3A_30 : vector<720x128xf32> to vector<1x720x128xf32>
    tpu.vector_store %arg9[%swap3A_332, %swap3A_333, %swap3A_334], %swap3A_337 {strides = array<i32>} : memref<1x720x128xf32, #tpu.memory_space<vmem>>, vector<1x720x128xf32>,
    return
  }
  func.func @transform_0(%arg0: i32) -> (i32, i32) {
    %c0_i32 = arith.constant 0 : i32
    %c0_i32_0 = arith.constant 0 : i32
    %c0_i32_1 = arith.constant 0 : i32
    return %c0_i32, %c0_i32_0 : i32, i32
  }
  func.func @transform_1(%arg0: i32) -> (i32, i32, i32) {
    %c0_i32 = arith.constant 0 : i32
    %c0_i32_0 = arith.constant 0 : i32
    %c0_i32_1 = arith.constant 0 : i32
    return %arg0, %c0_i32, %c0_i32_0 : i32, i32, i32
  }
  func.func @transform_2(%arg0: i32) -> (i32, i32) {
    %c0_i32 = arith.constant 0 : i32
    %c0_i32_0 = arith.constant 0 : i32
    %c0_i32_1 = arith.constant 0 : i32
    return %c0_i32, %c0_i32_0 : i32, i32
  }
  func.func @transform_3(%arg0: i32) -> (i32, i32) {
    %c0_i32 = arith.constant 0 : i32
    %c0_i32_0 = arith.constant 0 : i32
    %c0_i32_1 = arith.constant 0 : i32
    return %c0_i32, %c0_i32_0 : i32, i32
  }
  func.func @transform_4(%arg0: i32) -> (i32, i32) {
    %c0_i32 = arith.constant 0 : i32
    %c0_i32_0 = arith.constant 0 : i32
    %c0_i32_1 = arith.constant 0 : i32
    return %c0_i32, %c0_i32_0 : i32, i32
  }
  func.func @transform_5(%arg0: i32) -> (i32, i32) {
    %c0_i32 = arith.constant 0 : i32
    %c0_i32_0 = arith.constant 0 : i32
    %c0_i32_1 = arith.constant 0 : i32
    return %c0_i32, %c0_i32_0 : i32, i32
  }
  func.func @transform_6(%arg0: i32) -> (i32, i32) {
    %c0_i32 = arith.constant 0 : i32
    %c0_i32_0 = arith.constant 0 : i32
    return %arg0, %c0_i32 : i32, i32
  }
  func.func @transform_7(%arg0: i32) -> (i32, i32) {
    %c0_i32 = arith.constant 0 : i32
    %c0_i32_0 = arith.constant 0 : i32
    return %arg0, %c0_i32 : i32, i32
  }
  func.func @transform_8(%arg0: i32) -> (i32, i32, i32) {
    %c0_i32 = arith.constant 0 : i32
    %c0_i32_0 = arith.constant 0 : i32
    %c0_i32_1 = arith.constant 0 : i32
    return %arg0, %c0_i32, %c0_i32_0 : i32, i32, i32
  }
}

</mosaic_0001>

<sc_bundles>
// kernel: kernel.5.cloned.1.call-start
scs
__scs_entry_jumppad:
0x0: {  	(pc) =	sbr.rel $0x88, $3  }
0x1: {  	(tag) =	ssettag $0x0;
	lr =	simm.s32 $0x1  }
0x2: {  	[smem:$0x3F9A] =	sst lr;
	_ =	strace $0xD0000000  }
0x3: {  	_ = 	snop  }
0x4: {  	_ = 	snop  }
0x5: {  	_ = 	snop  }
0x6: {  	_ = 	snop  }
0x7: {  	_ = 	snop  }
__scs_overlays_trampoline_lowered:
0x8: {  	[smem:$0x3FA9] =	sst s0  }
0x9: {  	[smem:$0x3FAA] =	sst s1  }
0xa: {  	[smem:$0x3FAB] =	sst s2  }
0xb: {  	[smem:$0x3FAC] =	sst s3  }
0xc: {  	[smem:$0x3FAD] =	sst s4  }
0xd: {  	[smem:$0x3FAE] =	sst s5  }
0xe: {  	[smem:$0x3FAF] =	sst s6  }
0xf: {  	[smem:$0x3FB0] =	sst s7  }
0x10: {  	[smem:$0x3FB1] =	sst s8  }
0x11: {  	[smem:$0x3FB2] =	sst s9;
	s0 =	simm.s32 @!p0 $0x0  }
0x12: {  	s1 =	sld [smem:$0x3F98];
	s0 =	simm.s32 @p0 $0x1  }
0x13: {  	[smem:$0x3FB3] =	sst s0;
	s0 =	simm.s32 @!p1 $0x0  }
0x14: {  	s2 =	sld [smem:$0x3F97];
	s0 =	simm.s32 @p1 $0x1  }
0x15: {  	[smem:$0x3FB4] =	sst s0;
	s0 =	simm.s32 @!p2 $0x0  }
0x16: {  	s3 =	sld [smem:$0x3FDB];
	s0 =	simm.s32 @p2 $0x1  }
0x17: {  	s4 =	simm.s32 $0x1BF5;
	[smem:$0x3FB6] =	sst s0  }
0x18: {  	s0 =	sld [smem:$0x3F99];
	_ =	swait.ge [sflag:s4], $0x0  }
0x19: {  	s7 =	sld [smem:$0x3F9A]  }
0x1a: {  	s8 =	sadd.s32 $0xFFFFE003, lr  }
0x1b: {  	s9 =	sadd.s32 $0xFFFFFEF7, lr;
	s5 =	simm.s32 $0xFFFFFFFF;
	p2 =	slt.u32 s8, $0xFFFFF086  }
0x1c: {  	p1 =	slt.u32 s9, $0xF7A;
	s5 =	simm.s32 @!p2 $0x0  }
0x1d: {  	s5 =	simm.s32 @p1 $0x1;
	p0 =	seq.s32 s7, s2  }
0x1e: {  	s7 =	smul.u32 @!p0 $0xF7A, s2;
	p2 =	seq.s32 @!p0 s5, $0x0  }
0x1f: {  	s9 =	smul.u32 $0xF7A, s1;
	s8 =	simm.s32 @!p0 $0x1BF5;
	p2 =	por !p2, p0  }
0x20: {  	[sflag:s8] =	ssyncset.s32 @!p0 $0xFFFFF086;
	s6 =	sadd.s32 @!p0 s3, s7;
	s7 =	simm.s32 @!p0 $0x108  }
0x21: {  	s3 =	sadd.s32 s3, s9;
	s6 =	sadd.s32 @!p0 $0x88, s6;
	s7 =	simm.s32 @p2 $0x1082  }
0x22: {  	[simem:s7], [sflag:s8] =	dma.local @!p0 [hbm:s6], $0xF7A  }
0x23: {  	s9 =	sor.u32 $0xD0000000, s2;
	s6 =	simm.s32 $0x108;
	_ =	swait.ge @!p0 [sflag:s8], $0x0  }
0x24: {  	s3 =	sadd.s32 $0x88, s3;
	s6 =	simm.s32 @!p1 $0x1082;
	[sflag:s4] =	ssyncset.s32 $0xFFFFF086  }
0x25: {  	[simem:s6], [sflag:s4] =	dma.local [hbm:s3], $0xF7A  }
0x26: {  	[smem:$0x3F9A] =	sst s1;
	(tag) =	ssettag s2;
	_ =	strace s9  }
0x27: {  	s1 =	sld [smem:$0x3FAA]  }
0x28: {  	s2 =	sld [smem:$0x3FAB]  }
0x29: {  	s4 =	sld [smem:$0x3FAD]  }
0x2a: {  	p0 =	seq.s32 s5, $0x0;
	s5 =	sld [smem:$0x3FAE]  }
0x2b: {  	s6 =	sld [smem:$0x3FAF]  }
0x2c: {  	s7 =	sld [smem:$0x3FB0]  }
0x2d: {  	s3 =	simm.s32 $0x108;
	s8 =	sld [smem:$0x3FB1]  }
0x2e: {  	s3 =	simm.s32 @!p0 $0x1082;
	s9 =	sld [smem:$0x3FB2]  }
0x2f: {  	lr =	sadd.s32 s0, s3;
	s0 =	sld [smem:$0x3FA9]  }
0x30: {  	s3 =	sld [smem:$0x3FAC]  }
0x31: {  	[smem:$0x3FB5] =	sst s10  }
0x32: {  	s10 =	sld [smem:$0x3FB3];
	_ =	sdelay $0x3  }
0x33: {  	p0 =	seq.s32 s10, $0x1;
	s10 =	sld [smem:$0x3FB5];
	_ =	sdelay $0x3  }
0x34: {  	[smem:$0x3FB5] =	sst s10  }
0x35: {  	s10 =	sld [smem:$0x3FB4];
	_ =	sdelay $0x3  }
0x36: {  	p1 =	seq.s32 s10, $0x1;
	s10 =	sld [smem:$0x3FB5];
	_ =	sdelay $0x3  }
0x37: {  	[smem:$0x3FB5] =	sst s10  }
0x38: {  	s10 =	sld [smem:$0x3FB6]  }
0x39: {  	_ = 	snop;
	(pc) =	sbr.ind lr, $3  }
0x3a: {  	_ = 	snop  }
0x3b: {  	_ = 	snop  }
0x3c: {  	p2 =	seq.s32 s10, $0x1;
	s10 =	sld [smem:$0x3FB5]  }
0x3d: {  	_ =	shalt  }
0x3e: {  	_ =	shalt  }
0x3f: {  	_ =	shalt  }
0x40: {  	_ =	shalt  }
0x41: {  	_ =	shalt  }
0x42: {  	_ =	shalt  }
0x43: {  	_ =	shalt  }
0x44: {  	_ =	shalt  }
0x45: {  	_ =	shalt  }
0x46: {  	_ =	shalt  }
0x47: {  	_ =	shalt  }
0x48: {  	_ =	shalt  }
0x49: {  	_ =	shalt  }
0x4a: {  	_ =	shalt  }
0x4b: {  	_ =	shalt  }
0x4c: {  	_ =	shalt  }
0x4d: {  	_ =	shalt  }
0x4e: {  	_ =	shalt  }
0x4f: {  	_ =	shalt  }
0x50: {  	_ =	shalt  }
0x51: {  	_ =	shalt  }
0x52: {  	_ =	shalt  }
0x53: {  	_ =	shalt  }
0x54: {  	_ =	shalt  }
0x55: {  	_ =	shalt  }
0x56: {  	_ =	shalt  }
0x57: {  	_ =	shalt  }
0x58: {  	_ =	shalt  }
0x59: {  	_ =	shalt  }
0x5a: {  	_ =	shalt  }
0x5b: {  	_ =	shalt  }
0x5c: {  	_ =	shalt  }
0x5d: {  	_ =	shalt  }
0x5e: {  	_ =	shalt  }
0x5f: {  	_ =	shalt  }
0x60: {  	_ =	shalt  }
0x61: {  	_ =	shalt  }
0x62: {  	_ =	shalt  }
0x63: {  	_ =	shalt  }
0x64: {  	_ =	shalt  }
0x65: {  	_ =	shalt  }
0x66: {  	_ =	shalt  }
0x67: {  	_ =	shalt  }
0x68: {  	_ =	shalt  }
0x69: {  	_ =	shalt  }
0x6a: {  	_ =	shalt  }
0x6b: {  	_ =	shalt  }
0x6c: {  	_ =	shalt  }
0x6d: {  	_ =	shalt  }
0x6e: {  	_ =	shalt  }
0x6f: {  	_ =	shalt  }
0x70: {  	_ =	shalt  }
0x71: {  	_ =	shalt  }
0x72: {  	_ =	shalt  }
0x73: {  	_ =	shalt  }
0x74: {  	_ =	shalt  }
0x75: {  	_ =	shalt  }
0x76: {  	_ =	shalt  }
0x77: {  	_ =	shalt  }
0x78: {  	_ =	shalt  }
0x79: {  	_ =	shalt  }
0x7a: {  	_ =	shalt  }
0x7b: {  	_ =	shalt  }
0x7c: {  	_ =	shalt  }
0x7d: {  	_ =	shalt  }
0x7e: {  	_ =	shalt  }
0x7f: {  	_ =	shalt  }
0x80: {  	_ =	shalt  }
0x81: {  	_ =	shalt  }
0x82: {  	_ =	shalt  }
0x83: {  	_ =	shalt  }
0x84: {  	_ =	shalt  }
0x85: {  	_ =	shalt  }
0x86: {  	_ =	shalt  }
0x87: {  	_ =	shalt  }
.Lfunc_end0:
.L_simem_size_0:
called_computation_lowered:
.L_overlay_start_0:
0x88: {  	s2 =	sld [smem:$0x3FD9]  }
0x89: {  	s3 =	sld [smem:$0x3FFE];
	_ =	sdelay $0x1  }
0x8a: {  	s1 =	srdreg.scid  }
0x8b: {  	s0 =	sand.u32 $0x1, s1  }
0x8c: {  	s16 =	sshll.u32 s0, $0xA;
	s2 =	sadd.s32 s3, s2  }
0x8d: {  	s2 =	sadd.s32 s2, s16  }
0x8e: {  	[smem:$0x3FC1] =	sst s2  }
0x8f: {  	_ = 	snop  }
0x90: {  	(tm) =	ssettm $0x1  }
0x91: {  	s17 =	sld [smem:$0x3FFB];
	_ =	sdelay $0x3  }
0x92: {  	_ =	strace s17  }
0x93: {  	s2 =	sld [smem:$0x3FFC];
	_ =	sdelay $0x3  }
0x94: {  	_ =	strace s2  }
0x95: {  	s2 =	sld [smem:$0x3FFD];
	_ =	sdelay $0x3  }
0x96: {  	_ =	strace s2  }
0x97: {  	_ =	strace $0x8FFFFFFF  }
0x98: {  	s18 =	sld [smem:$0x3FDB];
	_ =	sdelay $0x1  }
0x99: {  	s19 =	simm.s32 $_scs_section_size  }
0x9a: {  	s4 =	simm.s32 $_size__tile_overlayer_lowered;
	s5 =	simm.s32 $_tile_overlayer_lowered  }
0x9b: {  	s22 =	simm.s32 $0x1BFF;
	s21 =	sshll.u32 s5, $0x1;
	s2 =	sadd.s32 s19, s18  }
0x9c: {  	s6 =	simm.s32 $0x0;
	s20 =	sshll.u32 s4, $0x1;
	s4 =	sadd.s32 s21, s2  }
0x9d: {  	[timem:s6], [sflag:s22] =	dma.local [hbm:s4], s20  }
0x9e: {  	_ =	swait.ge [sflag:s22], s20  }
0x9f: {  	s3 =	ssub.s32 $0x0, s20;
	[sflag:s22] =	ssyncset.done $0x0  }
0xa0: {  	[sflag:s22] =	ssyncadd.s32 s3;
	_ =	sdelay $0x1  }
0xa1: {  	s23 =	simm.s32 $0x1B8B  }
0xa2: {  	_ =	swait.ge [sflag:s23], $0x1  }
0xa3: {  	[sflag:s23] =	ssyncset.done $0x0  }
0xa4: {  	s25 =	simm.s32 $0x1B8E;
	s24 =	sld [smem:$0x3FFE];
	[sflag:s23] =	ssyncadd.s32 $0xFFFFFFFF  }
0xa5: {  	s26 =	simm.s32 $execute0_lowered;
	[smem:$0x3FD2] =	sst s25  }
0xa6: {  	s4 =	sshll.u32 s26, $0x1;
	_ =	strace $0x80000046;
	[dreg:$0x1] =	wrdreg $0xFFFFFFFF  }
0xa7: {  	s28 =	simm.s32 $_size_execute0_lowered;
	s2 =	sadd.s32 s2, s4;
	[dreg:$0x0] =	wrdreg $0x0  }
0xa8: {  	s4 =	sshll.u32 s28, $0x1;
	[dreg:$0x2] =	wrdreg s2  }
0xa9: {  	[dreg:$0x3] =	wrdreg s4  }
0xaa: {  	[dreg:$0x4] =	wrdreg $0xC0  }
0xab: {  	_ =	task [dreg:s6], $0x5FFFF  }
0xac: {  	[dreg:$0x1] =	wrdreg $0xFFFFFFFF  }
0xad: {  	[dreg:$0x0] =	wrdreg $0x60  }
0xae: {  	[dreg:$0x2] =	wrdreg s24  }
0xaf: {  	[dreg:$0x3] =	wrdreg $0x9  }
0xb0: {  	_ =	task.clear_ibuf [dreg:s6], $0x4FFFF;
	_ =	strace $0x90000046  }
0xb1: {  	s29 =	simm.s32 $0x9;
	_ =	strace $0x80000048  }
0xb2: {  	_ =	swait.ge [sflag:s29], $0x1  }
0xb3: {  	[sflag:s29] =	ssyncadd.s32 $0xFFFFFFFF  }
0xb4: {  	_ =	strace $0x90000048  }
0xb5: {  	_ =	sfence  }
0xb6: {  	s30 =	sld [smem:$0x0];
	_ =	sdelay $0x2  }
0xb7: {  	s31 =	sshll.u32 s1, $0xD;
	s1 =	sshrl.u32 s1, $0x2  }
0xb8: {  	s3 =	sand.u32 $0x4000, s31;
	s1 =	sadd.s32 s1, s30  }
0xb9: {  	s0 =	sor.u32 s3, s0;
	s1 =	sshll.u32 s1, $0x11  }
0xba: {  	s0 =	sor.u32 s1, s0  }
0xbb: {  	s0 =	sadd.s32 $0x8F2B, s0  }
0xbc: {  	[sflag:s0] =	ssyncadd.remote.s32 $0x1  }
0xbd: {  	_ =	sfence.sel $0xFFFF  }
0xbe: {  	[dreg:$0x0] =	wrdreg $0xFFFFFFFF;
	(pc) =	sbr.abs _section_cstart, $3  }
0xbf: {  	[dreg:$0x1] =	wrdreg $0xFFFFFFFF  }
0xc0: {  	_ =	task.clear_ibuf [dreg:s6], $0x2FFFF;
	_ =	strace $0x9FFFFFFF  }
0xc1: {  	(tm) =	ssettm $0x7FFFFFFF  }
tec
execute0_lowered:
.L_overlay_start_1:
0x0: {  	(tag) =	ssettag $0x1  }
0x1: {  	v3 =	vlaneseq.u32  }
0x2: {  	vm6 =	vcmask $0x300;
	vm7 =	vcmask $0x704;
	vm1 =	vmmov $0xff  }
0x3: {  	vm3 =	vcmask $0xB08;
	vm8 =	vcmask $0xF0C;
	vm5 =	vcmask $0x1310  }
0x4: {  	vm4 =	vcmask $0x1714;
	v7 =	vimm.s32 $0x2380;
	v9 =	vimm.s32 $0xF380  }
0x5: {  	v12 =	vimm.s32 $0x18380;
	vm10 =	vcmask $0x2B28;
	vm9 =	vcmask $0x2F2C  }
0x6: {  	v2 =	vmul.u32 $0xFFFFFFFF, v3;
	v8 =	vsel vm6, $0x2000, v7;
	v7 =	vimm.s32 $0xC380  }
0x7: {  	v9 =	vsel vm6, $0xD800, v9;
	v12 =	vsel vm6, $0x16800, v12;
	v3 =	vmul.u32 $0x80, v3  }
0x8: {  	v10 =	vsel vm6, $0xC000, v7;
	v7 =	vimm.s32 $0x12380;
	v8 =	vsel vm7, $0x2080, v8  }
0x9: {  	s1 =	srdreg.scid;
	s0 =	stileid.u32;
	v9 =	vsel vm7, $0xD880, v9;
	v12 =	vsel vm7, $0x16880, v12;
	v14 =	vadd.s32 $0x10E0, v2  }
0xa: {  	s3 =	sand.u32 $0x1, s1;
	s22 =	sshll.u32 s0, $0x1;
	v2 =	vimm.s32 $0x1B80;
	v11 =	vsel vm6, $0x10800, v7;
	v7 =	vimm.s32 $0x15380  }
0xb: {  	s4 =	sor.u32 s3, s22;
	v10 =	vsel vm7, $0xC080, v10;
	v8 =	vsel vm3, $0x2100, v8;
	v9 =	vsel vm3, $0xD900, v9  }
0xc: {  	s6 =	smul.u32 $0x88, s4;
	v12 =	vsel vm3, $0x16900, v12;
	v2 =	vsel vm6, $0x0, v2;
	v13 =	vsel vm6, $0x13800, v7  }
0xd: {  	v11 =	vsel vm7, $0x10880, v11;
	v10 =	vsel vm3, $0xC100, v10;
	v9 =	vsel vm8, $0xD980, v9  }
0xe: {  	v12 =	vsel vm8, $0x16980, v12;
	v0 =	vmov s6;
	v2 =	vsel vm7, $0x80, v2  }
0xf: {  	s23 =	sadd.s32 $0x10, s6;
	s24 =	sadd.s32 $0x20, s6;
	v13 =	vsel vm7, $0x13880, v13;
	v11 =	vsel vm3, $0x10900, v11;
	v9 =	vsel vm5, $0xDA00, v9  }
0x10: {  	s2 =	sadd.s32 $0x30, s6;
	s5 =	sadd.s32 $0x40, s6;
	v12 =	vsel vm5, $0x16A00, v12;
	v1 =	vmov s23;
	v4 =	vmov s24  }
0x11: {  	s25 =	sadd.s32 $0x48, s6;
	s26 =	sadd.s32 $0x58, s6;
	v5 =	vmov s2;
	v6 =	vmov s5;
	v2 =	vsel vm3, $0x100, v2  }
0x12: {  	v15 =	vmov s25;
	v7 =	vmov s26;
	v13 =	vsel vm3, $0x13900, v13  }
0x13: {  	v9 =	vsel vm4, $0xDA80, v9;
	v12 =	vsel vm4, $0x16A80, v12;
	vm0 =	vlt.u32 v6, v14  }
0x14: {  	v2 =	vsel vm8, $0x180, v2;
	vm2 =	vlt.u32 v4, v14;
	v4 =	vimm.s32 $0x4B80  }
0x15: {  	v6 =	vimm.s32 $0xAB80;
	vm0 =	vmand vm0, vm1;
	vm1 =	vlt.u32 v5, v14  }
0x16: {  	v2 =	vsel vm5, $0x200, v2;
	v4 =	vsel vm6, $0x3000, v4;
	v5 =	vimm.s32 $0x7B80  }
0x17: {  	v6 =	vsel vm6, $0x9000, v6;
	v2 =	vsel vm4, $0x280, v2;
	v5 =	vsel vm6, $0x6000, v5  }
0x18: {  	vm6 =	vcmask $0x1B18;
	v4 =	vsel vm7, $0x3080, v4;
	v6 =	vsel vm7, $0x9080, v6  }
0x19: {  	v2 =	vsel vm6, $0x300, v2;
	v5 =	vsel vm7, $0x6080, v5;
	vm7 =	vcmask $0x1F1C  }
0x1a: {  	v4 =	vsel vm3, $0x3100, v4;
	v6 =	vsel vm3, $0x9100, v6;
	v5 =	vsel vm3, $0x6100, v5  }
0x1b: {  	vm3 =	vlt.u32 v1, v14;
	v1 =	vsel vm7, $0x380, v2;
	v2 =	vsel vm8, $0x3180, v4  }
0x1c: {  	v4 =	vsel vm8, $0x6180, v5;
	v5 =	vsel vm8, $0x9180, v6;
	v6 =	vsel vm8, $0x2180, v8  }
0x1d: {  	s28 =	sadd.s32 $0x68, s6;
	v8 =	vsel vm8, $0xC180, v10;
	v10 =	vsel vm8, $0x10980, v11;
	v11 =	vsel vm8, $0x13980, v13  }
0x1e: {  	vm8 =	vcmask $0x2320;
	v13 =	vmov s28;
	v2 =	vsel vm5, $0x3200, v2  }
0x1f: {  	v1 =	vsel vm8, $0x1800, v1;
	v4 =	vsel vm5, $0x6200, v4;
	v5 =	vsel vm5, $0x9200, v5  }
0x20: {  	v6 =	vsel vm5, $0x2200, v6;
	v8 =	vsel vm5, $0xC200, v8;
	v10 =	vsel vm5, $0x10A00, v10  }
0x21: {  	v11 =	vsel vm5, $0x13A00, v11;
	vm5 =	vcmask $0x2724;
	v2 =	vsel vm4, $0x3280, v2  }
0x22: {  	v4 =	vsel vm4, $0x6280, v4;
	v5 =	vsel vm4, $0x9280, v5;
	v6 =	vsel vm4, $0x2280, v6  }
0x23: {  	v8 =	vsel vm4, $0xC280, v8;
	v10 =	vsel vm4, $0x10A80, v10;
	v11 =	vsel vm4, $0x13A80, v11  }
0x24: {  	vm4 =	vlt.u32 v0, v14;
	v16 =	vsel vm5, $0x1880, v1;
	v2 =	vsel vm6, $0x3300, v2  }
0x25: {  	v4 =	vsel vm6, $0x6300, v4;
	v5 =	vsel vm6, $0x9300, v5;
	v0 =	vsel vm6, $0x2300, v6  }
0x26: {  	v1 =	vsel vm6, $0xC300, v8;
	v6 =	vsel vm6, $0xDB00, v9;
	v8 =	vsel vm6, $0x10B00, v10  }
0x27: {  	s29 =	sadd.s32 $0x78, s6;
	v9 =	vsel vm6, $0x13B00, v11;
	v10 =	vsel vm6, $0x16B00, v12;
	v11 =	vsel vm10, $0x1900, v16  }
0x28: {  	v2 =	vsel vm7, $0x3380, v2;
	vm6 =	vcmask $0x3330;
	v12 =	vmov s29  }
0x29: {  	v4 =	vsel vm7, $0x6380, v4;
	v5 =	vsel vm7, $0x9380, v5;
	v6 =	vsel vm7, $0xDB80, v6  }
0x2a: {  	v8 =	vsel vm7, $0x10B80, v8;
	v9 =	vsel vm7, $0x13B80, v9;
	v10 =	vsel vm7, $0x16B80, v10  }
0x2b: {  	v11 =	vsel vm9, $0x1980, v11;
	v2 =	vsel vm8, $0x4800, v2;
	vm7 =	vcmask $0x3734  }
0x2c: {  	v4 =	vsel vm8, $0x7800, v4;
	v5 =	vsel vm8, $0xA800, v5;
	v6 =	vsel vm8, $0xF000, v6  }
0x2d: {  	v8 =	vsel vm8, $0x12000, v8;
	v9 =	vsel vm8, $0x15000, v9;
	v10 =	vsel vm8, $0x18000, v10  }
0x2e: {  	v11 =	vsel vm6, $0x1A00, v11;
	v2 =	vsel vm5, $0x4880, v2;
	vm8 =	vcmask $0x3B38  }
0x2f: {  	v4 =	vsel vm5, $0x7880, v4;
	v5 =	vsel vm5, $0xA880, v5;
	v6 =	vsel vm5, $0xF080, v6  }
0x30: {  	v8 =	vsel vm5, $0x12080, v8;
	v9 =	vsel vm5, $0x15080, v9;
	v10 =	vsel vm5, $0x18080, v10  }
0x31: {  	v59 =	vsel vm10, $0x4900, v2;
	vm5 =	vlt.u32 v12, v14;
	v2 =	vimm.f32 $0.0e+00  }
0x32: {  	v11 =	vsel vm7, $0x1A80, v11;
	v4 =	vsel vm10, $0x7900, v4;
	v5 =	vsel vm10, $0xA900, v5  }
0x33: {  	v6 =	vsel vm10, $0xF100, v6;
	v8 =	vsel vm10, $0x12100, v8;
	v9 =	vsel vm10, $0x15100, v9  }
0x34: {  	v10 =	vsel vm10, $0x18100, v10;
	v12 =	vsel vm9, $0x4980, v59;
	v60 =	vsel vm9, $0x7980, v4  }
0x35: {  	v5 =	vsel vm9, $0xA980, v5;
	v6 =	vsel vm9, $0xF180, v6;
	v8 =	vsel vm9, $0x12180, v8  }
0x36: {  	v9 =	vsel vm9, $0x15180, v9;
	v10 =	vsel vm9, $0x18180, v10;
	v12 =	vsel vm6, $0x4A00, v12  }
0x37: {  	s7 =	rddreg [dreg:$0x0];
	v4 =	vsel vm8, $0x1B00, v11;
	v11 =	vsel vm7, $0x4A80, v12;
	v12 =	vsel vm6, $0x7A00, v60  }
0x38: {  	s11 =	simm.s32 $0x4800;
	s12 =	simm.s32 $0x0;
	s3 =	ssub.s32 $0x2, s3;
	v61 =	vsel vm6, $0xAA00, v5;
	v17 =	vsel vm6, $0xF200, v6;
	v8 =	vsel vm6, $0x12200, v8  }
0x39: {  	s1 =	rddreg [dreg:$0x1];
	s4 =	smul.u32 $0x880, s4;
	s30 =	sshrl.u32 s3, $0x1;
	v9 =	vsel vm6, $0x15200, v9;
	v10 =	vsel vm6, $0x18200, v10;
	vm6 =	vlt.u32 v13, v14  }
0x3a: {  	s8 =	sadd.s32 $0x1000, s7;
	s9 =	sadd.s32 $0x12000, s7;
	s10 =	ssub.s32 s3, s30;
	v5 =	vor.u32 $0x800, v3;
	v6 =	vsel vm8, $0x4B00, v11;
	v11 =	vsel vm7, $0x7A80, v12  }
0x3b: {  	s6 =	sshrl.u32 s6, $0x3;
	s3 =	sadd.s32 s8, s4;
	s4 =	sadd.s32 s9, s4;
	v12 =	vsel vm7, $0xAA80, v61;
	v13 =	vsel vm7, $0xF280, v17;
	v62 =	vsel vm7, $0x12280, v8  }
0x3c: {  	s2 =	simm.s32 $0x0;
	s6 =	smul.u32 $0x300, s6;
	s31 =	sshll.u32 s25, $0x4;
	v63 =	vsel vm7, $0x15280, v9;
	v18 =	vsel vm7, $0x18280, v10;
	vm7 =	vlt.u32 v7, v14  }
0x3d: {  	[smem:$0x7FF] =	sst s2;
	s5 =	sadd.s32 s8, s31;
	s8 =	smax.u32 s10, $0x1;
	v7 =	vor.u32 $0x1000, v3;
	v8 =	vsel vm8, $0x7B00, v11;
	v9 =	vsel vm8, $0xAB00, v12  }
0x3e: {  	s10 =	simm.s32 $0x2400;
	_ =	strace $0x80000047;
	s7 =	sadd.s32 s6, s7;
	v10 =	vsel vm8, $0xF300, v13;
	v11 =	vsel vm8, $0x12300, v62;
	v12 =	vsel vm8, $0x15300, v63  }
0x3f: {  	s6 =	sadd.s32 s9, s31;
	s9 =	simm.s32 $0x1;
	s7 =	sadd.s32 $0x23000, s7;
	v13 =	vsel vm8, $0x18300, v18;
	vm8 =	vlt.u32 v15, v14;
	v14 =	vor.u32 $0x1800, v3  }
.LBB2_1:
0x40: {  	s13 =	simm.s32 $0x0  }
0x41: {  	s13 =	smul.u32 $0x6000, s13;
	_ =	sdelay $0x1  }
0x42: {  	s14 =	sand.u32 $0x380, s2;
	s13 =	sshra.s32 s13, $0x2  }
0x43: {  	s13 =	sor.u32 s14, s13  }
0x44: {  	[tilespmem:s13+$0x5C40] =	vst v2  }
0x45: {  	[tilespmem:s13+$0x4800] =	vst v2  }
0x46: {  	[tilespmem:s13+$0x4810] =	vst v2  }
0x47: {  	[tilespmem:s13+$0x4820] =	vst v2  }
0x48: {  	[tilespmem:s13+$0x4830] =	vst v2  }
0x49: {  	[tilespmem:s13+$0x4840] =	vst v2  }
0x4a: {  	[tilespmem:s13+$0x4850] =	vst v2  }
0x4b: {  	[tilespmem:s13+$0x4860] =	vst v2  }
0x4c: {  	[tilespmem:s13+$0x4870] =	vst v2  }
0x4d: {  	[tilespmem:s13+$0x4C00] =	vst v2  }
0x4e: {  	[tilespmem:s13+$0x4C10] =	vst v2  }
0x4f: {  	[tilespmem:s13+$0x4C20] =	vst v2  }
0x50: {  	[tilespmem:s13+$0x4C30] =	vst v2  }
0x51: {  	[tilespmem:s13+$0x4C40] =	vst v2  }
0x52: {  	[tilespmem:s13+$0x4C50] =	vst v2  }
0x53: {  	[tilespmem:s13+$0x4C60] =	vst v2  }
0x54: {  	[tilespmem:s13+$0x4C70] =	vst v2  }
0x55: {  	[tilespmem:s13+$0x5000] =	vst v2  }
0x56: {  	[tilespmem:s13+$0x5010] =	vst v2  }
0x57: {  	[tilespmem:s13+$0x5020] =	vst v2  }
0x58: {  	[tilespmem:s13+$0x5030] =	vst v2  }
0x59: {  	[tilespmem:s13+$0x5040] =	vst v2  }
0x5a: {  	[tilespmem:s13+$0x5050] =	vst v2  }
0x5b: {  	[tilespmem:s13+$0x5060] =	vst v2  }
0x5c: {  	[tilespmem:s13+$0x5070] =	vst v2  }
0x5d: {  	[tilespmem:s13+$0x5400] =	vst v2  }
0x5e: {  	[tilespmem:s13+$0x5410] =	vst v2  }
0x5f: {  	[tilespmem:s13+$0x5420] =	vst v2  }
0x60: {  	[tilespmem:s13+$0x5430] =	vst v2  }
0x61: {  	[tilespmem:s13+$0x5440] =	vst v2  }
0x62: {  	[tilespmem:s13+$0x5450] =	vst v2  }
0x63: {  	[tilespmem:s13+$0x5460] =	vst v2  }
0x64: {  	[tilespmem:s13+$0x5470] =	vst v2  }
0x65: {  	[tilespmem:s13+$0x5800] =	vst v2  }
0x66: {  	[tilespmem:s13+$0x5810] =	vst v2  }
0x67: {  	[tilespmem:s13+$0x5820] =	vst v2  }
0x68: {  	[tilespmem:s13+$0x5830] =	vst v2  }
0x69: {  	[tilespmem:s13+$0x5840] =	vst v2  }
0x6a: {  	[tilespmem:s13+$0x5850] =	vst v2  }
0x6b: {  	[tilespmem:s13+$0x5860] =	vst v2  }
0x6c: {  	s16 =	simm.s32 $0x0;
	s15 =	simm.s32 $0x2;
	s14 =	simm.s32 $0x0;
	[tilespmem:s13+$0x5870] =	vst v2  }
.LBB2_2:
0x6d: {  	p0 =	sne.s32 s15, $0x87;
	s16 =	smul.u32 $0x6000, s16;
	[tilespmem:s13+$0x5C00] =	vst v2  }
0x6e: {  	s14 =	sadd.s32 $0x80, s14;
	[tilespmem:s13+$0x5C10] =	vst v2  }
0x6f: {  	s17 =	sand.u32 $0x380, s14;
	s16 =	sshra.s32 s16, $0x2;
	[tilespmem:s13+$0x5C20] =	vst v2  }
0x70: {  	[tilespmem:s13+$0x5C30] =	vst v2;
	s13 =	sor.u32 s17, s16  }
0x71: {  	[tilespmem:s13+$0x5C40] =	vst v2  }
0x72: {  	[tilespmem:s13+$0x4800] =	vst v2  }
0x73: {  	[tilespmem:s13+$0x4810] =	vst v2  }
0x74: {  	[tilespmem:s13+$0x4820] =	vst v2  }
0x75: {  	[tilespmem:s13+$0x4830] =	vst v2  }
0x76: {  	[tilespmem:s13+$0x4840] =	vst v2  }
0x77: {  	[tilespmem:s13+$0x4850] =	vst v2  }
0x78: {  	[tilespmem:s13+$0x4860] =	vst v2  }
0x79: {  	[tilespmem:s13+$0x4870] =	vst v2  }
0x7a: {  	[tilespmem:s13+$0x4C00] =	vst v2  }
0x7b: {  	[tilespmem:s13+$0x4C10] =	vst v2  }
0x7c: {  	[tilespmem:s13+$0x4C20] =	vst v2  }
0x7d: {  	[tilespmem:s13+$0x4C30] =	vst v2  }
0x7e: {  	[tilespmem:s13+$0x4C40] =	vst v2  }
0x7f: {  	[tilespmem:s13+$0x4C50] =	vst v2  }
0x80: {  	[tilespmem:s13+$0x4C60] =	vst v2  }
0x81: {  	[tilespmem:s13+$0x4C70] =	vst v2  }
0x82: {  	[tilespmem:s13+$0x5000] =	vst v2  }
0x83: {  	[tilespmem:s13+$0x5010] =	vst v2  }
0x84: {  	[tilespmem:s13+$0x5020] =	vst v2  }
0x85: {  	[tilespmem:s13+$0x5030] =	vst v2  }
0x86: {  	[tilespmem:s13+$0x5040] =	vst v2  }
0x87: {  	[tilespmem:s13+$0x5050] =	vst v2  }
0x88: {  	[tilespmem:s13+$0x5060] =	vst v2  }
0x89: {  	[tilespmem:s13+$0x5070] =	vst v2  }
0x8a: {  	[tilespmem:s13+$0x5400] =	vst v2  }
0x8b: {  	[tilespmem:s13+$0x5410] =	vst v2  }
0x8c: {  	[tilespmem:s13+$0x5420] =	vst v2  }
0x8d: {  	[tilespmem:s13+$0x5430] =	vst v2  }
0x8e: {  	[tilespmem:s13+$0x5440] =	vst v2  }
0x8f: {  	[tilespmem:s13+$0x5450] =	vst v2  }
0x90: {  	[tilespmem:s13+$0x5460] =	vst v2  }
0x91: {  	[tilespmem:s13+$0x5470] =	vst v2  }
0x92: {  	[tilespmem:s13+$0x5800] =	vst v2  }
0x93: {  	[tilespmem:s13+$0x5810] =	vst v2  }
0x94: {  	[tilespmem:s13+$0x5820] =	vst v2  }
.Ltmp0:
0x95: {  	[tilespmem:s13+$0x5830] =	vst v2;
	(pc) =	sbr.rel @p0 .LBB2_2-.Ltmp0, $4  }
0x96: {  	[tilespmem:s13+$0x5840] =	vst v2  }
0x97: {  	[tilespmem:s13+$0x5850] =	vst v2  }
0x98: {  	[tilespmem:s13+$0x5860] =	vst v2  }
0x99: {  	s16 =	sshrl.u32 s15, $0x3;
	s15 =	sadd.s32 $0x1, s15;
	[tilespmem:s13+$0x5870] =	vst v2  }
0x9a: {  	s15 =	smul.u32 $0x6000, s16;
	[tilespmem:s13+$0x5C00] =	vst v2  }
0x9b: {  	[tilespmem:s13+$0x5C10] =	vst v2;
	s14 =	sadd.s32 $0x80, s14  }
0x9c: {  	[tilespmem:s13+$0x5C20] =	vst v2;
	s14 =	sand.u32 $0x380, s14;
	s15 =	sshra.s32 s15, $0x2  }
0x9d: {  	[tilespmem:s13+$0x5C30] =	vst v2;
	s14 =	sor.u32 s14, s15  }
0x9e: {  	[tilespmem:s14+$0x5C40] =	vst v2  }
0x9f: {  	[tilespmem:s14+$0x4800] =	vst v2  }
0xa0: {  	[tilespmem:s14+$0x4810] =	vst v2  }
0xa1: {  	[tilespmem:s14+$0x4820] =	vst v2  }
0xa2: {  	[tilespmem:s14+$0x4830] =	vst v2  }
0xa3: {  	[tilespmem:s14+$0x4840] =	vst v2  }
0xa4: {  	[tilespmem:s14+$0x4850] =	vst v2  }
0xa5: {  	[tilespmem:s14+$0x4860] =	vst v2  }
0xa6: {  	[tilespmem:s14+$0x4870] =	vst v2  }
0xa7: {  	[tilespmem:s14+$0x4C00] =	vst v2  }
0xa8: {  	[tilespmem:s14+$0x4C10] =	vst v2  }
0xa9: {  	[tilespmem:s14+$0x4C20] =	vst v2  }
0xaa: {  	[tilespmem:s14+$0x4C30] =	vst v2  }
0xab: {  	[tilespmem:s14+$0x4C40] =	vst v2  }
0xac: {  	[tilespmem:s14+$0x4C50] =	vst v2  }
0xad: {  	[tilespmem:s14+$0x4C60] =	vst v2  }
0xae: {  	[tilespmem:s14+$0x4C70] =	vst v2  }
0xaf: {  	[tilespmem:s14+$0x5000] =	vst v2  }
0xb0: {  	[tilespmem:s14+$0x5010] =	vst v2  }
0xb1: {  	[tilespmem:s14+$0x5020] =	vst v2  }
0xb2: {  	[tilespmem:s14+$0x5030] =	vst v2  }
0xb3: {  	[tilespmem:s14+$0x5040] =	vst v2  }
0xb4: {  	[tilespmem:s14+$0x5050] =	vst v2  }
0xb5: {  	[tilespmem:s14+$0x5060] =	vst v2  }
0xb6: {  	[tilespmem:s14+$0x5070] =	vst v2  }
0xb7: {  	[tilespmem:s14+$0x5400] =	vst v2  }
0xb8: {  	[tilespmem:s14+$0x5410] =	vst v2  }
0xb9: {  	[tilespmem:s14+$0x5420] =	vst v2  }
0xba: {  	[tilespmem:s14+$0x5430] =	vst v2  }
0xbb: {  	[tilespmem:s14+$0x5440] =	vst v2  }
0xbc: {  	[tilespmem:s14+$0x5450] =	vst v2  }
0xbd: {  	[tilespmem:s14+$0x5460] =	vst v2  }
0xbe: {  	[tilespmem:s14+$0x5470] =	vst v2  }
0xbf: {  	[tilespmem:s14+$0x5800] =	vst v2  }
0xc0: {  	[tilespmem:s14+$0x5810] =	vst v2  }
0xc1: {  	[tilespmem:s14+$0x5820] =	vst v2  }
0xc2: {  	[tilespmem:s14+$0x5830] =	vst v2  }
0xc3: {  	[tilespmem:s14+$0x5840] =	vst v2  }
0xc4: {  	[tilespmem:s14+$0x5850] =	vst v2  }
0xc5: {  	[tilespmem:s14+$0x5860] =	vst v2  }
0xc6: {  	[tilespmem:s14+$0x5870] =	vst v2  }
0xc7: {  	[tilespmem:s14+$0x5C00] =	vst v2  }
0xc8: {  	[tilespmem:s14+$0x5C10] =	vst v2  }
0xc9: {  	[tilespmem:s14+$0x5C20] =	vst v2  }
0xca: {  	s13 =	simm.s32 $0x0;
	[tilespmem:s14+$0x5C30] =	vst v2  }
0xcb: {  	[tilespmem:s13], [sflag:$0x1] =	stream.linear.gather [hbm4b:s3+s13], $0x2400, $0x38;
	[tilespmem:$0x1E000] =	vst v63  }
0xcc: {  	_ =	swait.ge [sflag:s9], $0x2400  }
0xcd: {  	[sflag:s9] =	ssyncset.done $0x0  }
0xce: {  	[sflag:s9] =	ssyncadd.s32 $0xFFFFDC00  }
0xcf: {  	[tilespmem:s10], [sflag:$0x1] =	stream.linear.gather [hbm4b:s4+s13], $0x2400, $0x38;
	[tilespmem:$0x1E000] =	vst v63  }
0xd0: {  	_ =	swait.ge [sflag:s9], $0x2400  }
0xd1: {  	[sflag:s9] =	ssyncset.done $0x0  }
0xd2: {  	[sflag:s9] =	ssyncadd.s32 $0xFFFFDC00  }
.LBB2_4:
0xd3: {  	v15 =	vmov s13  }
0xd4: {  	v15 =	vand.u32 $0x7F, v15  }
0xd5: {  	v15 =	vbroadcast v15, $0x0;
	_ =	sdelay $0x1  }
0xd6: {  	v16 =	vor.u32 v3, v15;
	_ =	sdelay $0x4  }
0xd7: {  	v17 =	vld.idx.msk [tilespmem:v16+s2+$0x0], $0xffff;
	_ =	sdelay $0x4  }
0xd8: {  	v18 =	vshll.u32 v17, $0x3  }
0xd9: {  	v17 =	vand.u32 $0x7F, v17;
	v18 =	vand.u32 $0xFFFFFC00, v18  }
0xda: {  	v17 =	vor.u32 v17, v18  }
0xdb: {  	v16 =	vld.idx.msk [tilespmem:v16+s10+$0x0], $0xffff;
	v17 =	vadd.s32 v4, v17  }
0xdc: {  	v54 =	vor.u32 v5, v15;
	_ =	sdelay $0x3  }
0xdd: {  	[tilespmem:v17+s11+$0x0] =	vst.idx.add.f32.msk vm4, v16  }
0xde: {  	v16 =	vld.idx.msk [tilespmem:v54+s2+$0x0], $0xffff;
	_ =	sdelay $0x4  }
0xdf: {  	v55 =	vshll.u32 v16, $0x3  }
0xe0: {  	v16 =	vand.u32 $0x7F, v16;
	v17 =	vand.u32 $0xFFFFFC00, v55  }
0xe1: {  	v16 =	vor.u32 v16, v17  }
0xe2: {  	v56 =	vld.idx.msk [tilespmem:v54+s10+$0x0], $0xffff;
	v16 =	vadd.s32 v6, v16  }
0xe3: {  	v57 =	vor.u32 v7, v15;
	_ =	sdelay $0x3  }
0xe4: {  	[tilespmem:v16+s11+$0x0] =	vst.idx.add.f32.msk vm3, v56  }
0xe5: {  	v16 =	vld.idx.msk [tilespmem:v57+s2+$0x0], $0xffff;
	_ =	sdelay $0x4  }
0xe6: {  	v58 =	vshll.u32 v16, $0x3  }
0xe7: {  	v16 =	vand.u32 $0x7F, v16;
	v17 =	vand.u32 $0xFFFFFC00, v58  }
0xe8: {  	v16 =	vor.u32 v16, v17  }
0xe9: {  	v59 =	vld.idx.msk [tilespmem:v57+s10+$0x0], $0xffff;
	v16 =	vadd.s32 v8, v16  }
0xea: {  	v60 =	vor.u32 v14, v15;
	_ =	sdelay $0x3  }
0xeb: {  	[tilespmem:v16+s11+$0x0] =	vst.idx.add.f32.msk vm2, v59  }
0xec: {  	v16 =	vld.idx.msk [tilespmem:v60+s2+$0x0], $0xffff;
	_ =	sdelay $0x4  }
0xed: {  	v61 =	vshll.u32 v16, $0x3  }
0xee: {  	v16 =	vand.u32 $0x7F, v16;
	v17 =	vand.u32 $0xFFFFFC00, v61  }
0xef: {  	v16 =	vor.u32 v16, v17  }
0xf0: {  	v62 =	vld.idx.msk [tilespmem:v60+s10+$0x0], $0xffff;
	v16 =	vadd.s32 v9, v16  }
0xf1: {  	v15 =	vor.u32 v0, v15;
	_ =	sdelay $0x3  }
0xf2: {  	[tilespmem:v16+s11+$0x0] =	vst.idx.add.f32.msk vm1, v62  }
0xf3: {  	v16 =	vld.idx.msk [tilespmem:v15+s2+$0x0], $0xffff;
	_ =	sdelay $0x4  }
0xf4: {  	v63 =	vshll.u32 v16, $0x3  }
0xf5: {  	v16 =	vand.u32 $0x7F, v16;
	v17 =	vand.u32 $0xFFFFFC00, v63  }
0xf6: {  	v16 =	vor.u32 v16, v17  }
0xf7: {  	p0 =	sne.s32 s13, $0x3F;
	v15 =	vld.idx.msk [tilespmem:v15+s10+$0x0], $0xffff;
	v16 =	vadd.s32 v1, v16  }
.Ltmp1:
0xf8: {  	_ = 	snop;
	(pc) =	sbr.rel @p0 .LBB2_4-.Ltmp1, $2  }
0xf9: {  	_ =	sdelay $0x2  }
0xfa: {  	s13 =	sadd.s32 $0x1, s13;
	[tilespmem:v16+s11+$0x0] =	vst.idx.add.f32.msk vm0, v15  }
0xfb: {  	s13 =	simm.s32 $0x0  }
0xfc: {  	[tilespmem:s13], [sflag:$0x1] =	stream.linear.gather [hbm4b:s5+s13], $0x2000, $0x38;
	[tilespmem:$0x1E000] =	vst v63  }
0xfd: {  	_ =	swait.ge [sflag:s9], $0x2000  }
0xfe: {  	[sflag:s9] =	ssyncset.done $0x0  }
0xff: {  	[sflag:s9] =	ssyncadd.s32 $0xFFFFE000  }
0x100: {  	[tilespmem:s10], [sflag:$0x1] =	stream.linear.gather [hbm4b:s6+s13], $0x2000, $0x38;
	[tilespmem:$0x1E000] =	vst v63  }
0x101: {  	_ =	swait.ge [sflag:s9], $0x2000  }
0x102: {  	[sflag:s9] =	ssyncset.done $0x0  }
0x103: {  	[sflag:s9] =	ssyncadd.s32 $0xFFFFE000  }
.LBB2_6:
0x104: {  	v15 =	vmov s13  }
0x105: {  	v15 =	vand.u32 $0x7F, v15  }
0x106: {  	v15 =	vbroadcast v15, $0x0;
	_ =	sdelay $0x1  }
0x107: {  	v16 =	vor.u32 v3, v15;
	_ =	sdelay $0x4  }
0x108: {  	v17 =	vld.idx.msk [tilespmem:v16+s2+$0x0], $0xffff;
	_ =	sdelay $0x4  }
0x109: {  	v18 =	vshll.u32 v17, $0x3  }
0x10a: {  	v17 =	vand.u32 $0x7F, v17;
	v18 =	vand.u32 $0xFFFFFC00, v18  }
0x10b: {  	v17 =	vor.u32 v17, v18  }
0x10c: {  	v16 =	vld.idx.msk [tilespmem:v16+s10+$0x0], $0xffff;
	v17 =	vadd.s32 v10, v17  }
0x10d: {  	v57 =	vor.u32 v5, v15;
	_ =	sdelay $0x3  }
0x10e: {  	[tilespmem:v17+s11+$0x0] =	vst.idx.add.f32.msk vm8, v16  }
0x10f: {  	v16 =	vld.idx.msk [tilespmem:v57+s2+$0x0], $0xffff;
	_ =	sdelay $0x4  }
0x110: {  	v58 =	vshll.u32 v16, $0x3  }
0x111: {  	v16 =	vand.u32 $0x7F, v16;
	v17 =	vand.u32 $0xFFFFFC00, v58  }
0x112: {  	v16 =	vor.u32 v16, v17  }
0x113: {  	v59 =	vld.idx.msk [tilespmem:v57+s10+$0x0], $0xffff;
	v16 =	vadd.s32 v11, v16  }
0x114: {  	v60 =	vor.u32 v7, v15;
	_ =	sdelay $0x3  }
0x115: {  	[tilespmem:v16+s11+$0x0] =	vst.idx.add.f32.msk vm7, v59  }
0x116: {  	v16 =	vld.idx.msk [tilespmem:v60+s2+$0x0], $0xffff;
	_ =	sdelay $0x4  }
0x117: {  	v61 =	vshll.u32 v16, $0x3  }
0x118: {  	v16 =	vand.u32 $0x7F, v16;
	v17 =	vand.u32 $0xFFFFFC00, v61  }
0x119: {  	v16 =	vor.u32 v16, v17  }
0x11a: {  	v62 =	vld.idx.msk [tilespmem:v60+s10+$0x0], $0xffff;
	v16 =	vadd.s32 v12, v16  }
0x11b: {  	v15 =	vor.u32 v14, v15;
	_ =	sdelay $0x3  }
0x11c: {  	[tilespmem:v16+s11+$0x0] =	vst.idx.add.f32.msk vm6, v62  }
0x11d: {  	v16 =	vld.idx.msk [tilespmem:v15+s2+$0x0], $0xffff;
	_ =	sdelay $0x4  }
0x11e: {  	v63 =	vshll.u32 v16, $0x3  }
0x11f: {  	v16 =	vand.u32 $0x7F, v16;
	v17 =	vand.u32 $0xFFFFFC00, v63  }
0x120: {  	v16 =	vor.u32 v16, v17  }
0x121: {  	p0 =	sne.s32 s13, $0x3F;
	v15 =	vld.idx.msk [tilespmem:v15+s10+$0x0], $0xffff;
	v16 =	vadd.s32 v13, v16  }
.Ltmp2:
0x122: {  	_ = 	snop;
	(pc) =	sbr.rel @p0 .LBB2_6-.Ltmp2, $2  }
0x123: {  	_ =	sdelay $0x2  }
0x124: {  	s13 =	sadd.s32 $0x1, s13;
	[tilespmem:v16+s11+$0x0] =	vst.idx.add.f32.msk vm5, v15  }
0x125: {  	s12 =	sadd.s32 $0x1, s12  }
0x126: {  	p0 =	sne.s32 s12, s8  }
.Ltmp3:
0x127: {  	_ = 	snop;
	(pc) =	sbr.rel @p0 .LBB2_1-.Ltmp3, $4  }
0x128: {  	[hbm4b:s7+s2] =	stream.linear.scatter [tilespmem:s11], [sflag:$0x1], $0x19800, $0x38;
	[tilespmem:$0x1E000] =	vst v63  }
0x129: {  	_ =	swait.ge [sflag:s9], $0x19800  }
0x12a: {  	[sflag:s9] =	ssyncset.done $0x0  }
0x12b: {  	[sflag:s9] =	ssyncadd.s32 $0xFFFE6800  }
0x12c: {  	_ =	sfence.sel $0x180000  }
0x12d: {  	[bflag:$0x0] =	sbarrier.arrive $0xFFFF  }
0x12e: {  	p0 =	sne.s32 s0, $0x0;
	_ =	strace $0x90000047  }
0x12f: {  	s0 =	sadd.s32 @!p0 $0x100000, s1;
	[bflag:$0x2] =	sbarrier.arrive $0xFFFF  }
0x130: {  	[sflag:s0] =	ssyncadd.tile.s32 @!p0 $0x1;
	_ =	shalt  }
.Lfunc_end2:
_tile_overlayer_lowered:
.L_overlay_start_2:
0x131: {  	(tag) =	ssettag $0x2  }
0x132: {  	s0 =	rddreg [dreg:$0x0];
	s2 =	stileid.u32  }
0x133: {  	s1 =	rddreg [dreg:$0x1];
	p0 =	sne.s32 s2, $0x0  }
0x134: {  	s3 =	rddreg [dreg:$0x2];
	[bflag:$0x3] =	sbarrier.arrive $0xFFFF;
	s2 =	simm.s32 @!p0 $0x1C01  }
0x135: {  	[timem:s3], [sflag:s2] =	dma.local @!p0 [hbm:s0], s1  }
0x136: {  	s0 =	simm.s32 @!p0 $0x1  }
0x137: {  	_ =	swait.ge @!p0 [sflag:s0], s1  }
0x138: {  	s1 =	ssub.s32 @!p0 $0x0, s1;
	[sflag:s0] =	ssyncset.done @!p0 $0x0  }
0x139: {  	[sflag:s0] =	ssyncadd.s32 @!p0 s1  }
0x13a: {  	[bflag:$0x3] =	sbarrier.arrive $0xFFFF  }
0x13b: {  	_ =	shalt  }

</sc_bundles>
